<compile_context>
chip_gen: v7x
topology: tpu7x:2x2x1
jax: 0.10.2.dev20260603
libtpu: 0.0.44.dev20260713+nightly
codegen_flags: <defaults>
</compile_context>

<pallas_src>
import dataclasses
import functools

import jax
import jax.numpy as jnp
from jax import lax
from jax.experimental import pallas as pl
from jax.experimental.pallas import tpu as pltpu
from jax.experimental.pallas import tpu_sc as plsc

B = 128
V = 100000
CV = 20000
NSTEPS = V // CV
NSLAB = 5
SLAB = CV // NSLAB

SC_LANES = 16
ROWS_PER_SUB = 16
ACTIVE_SUBCORES = B // ROWS_PER_SUB


def _tc_body(x_ref, lse_ref, ent_ref, s_ref, t_ref):
    j = pl.program_id(0)

    @pl.when(j == 0)
    def _():
        s_ref[...] = jnp.zeros((1, B), jnp.float32)
        t_ref[...] = jnp.zeros((1, B), jnp.float32)

    x = x_ref[...]
    ps = []
    pt = []
    for i in range(NSLAB):
        xs = x[i * SLAB : (i + 1) * SLAB]
        es = jnp.exp(xs)
        ps.append(jnp.sum(es, axis=0, keepdims=True))
        pt.append(jnp.sum(xs * es, axis=0, keepdims=True))
    s_ref[...] += sum(ps)
    t_ref[...] += sum(pt)

    @pl.when(j == NSTEPS - 1)
    def _():
        s = s_ref[...]
        lse = jnp.log(s)
        lse_ref[...] = lse
        ent_ref[...] = lse - t_ref[...] / s


def _tc_reduce(xt):
    return pl.pallas_call(
        _tc_body,
        grid=(NSTEPS,),
        in_specs=[pl.BlockSpec((CV, B), lambda j: (j, 0))],
        out_specs=[
            pl.BlockSpec((1, B), lambda j: (0, 0)),
            pl.BlockSpec((1, B), lambda j: (0, 0)),
        ],
        out_shape=[
            jax.ShapeDtypeStruct((1, B), jnp.float32),
            jax.ShapeDtypeStruct((1, B), jnp.float32),
        ],
        scratch_shapes=[
            pltpu.VMEM((1, B), jnp.float32),
            pltpu.VMEM((1, B), jnp.float32),
        ],
    )(xt)


def _sc_gather(actions_i32, xt):
    mesh = plsc.VectorSubcoreMesh(
        core_axis_name="c", subcore_axis_name="s", num_cores=1
    )
    cp = pltpu.CompilerParams()
    if "needs_layout_passes" in pltpu.CompilerParams.__dataclass_fields__:
        cp = dataclasses.replace(cp, needs_layout_passes=False)

    @functools.partial(
        pl.kernel,
        mesh=mesh,
        compiler_params=cp,
        out_type=jax.ShapeDtypeStruct((B,), jnp.float32),
        scratch_types=[
            pltpu.VMEM((ROWS_PER_SUB,), jnp.int32),
            pltpu.VMEM((ROWS_PER_SUB, 8, B), jnp.float32),
            pltpu.VMEM((ROWS_PER_SUB,), jnp.float32),
            pltpu.SemaphoreType.DMA,
        ],
    )
    def sc_kernel(act_hbm, x_hbm, out_hbm, a_v, rows_v, val_v, sem):
        wid = lax.axis_index("s")

        @pl.when(wid < ACTIVE_SUBCORES)
        def _():
            base = wid * ROWS_PER_SUB
            pltpu.sync_copy(act_hbm.at[pl.ds(base, ROWS_PER_SUB)], a_v)
            a_vec = a_v[...]
            copies = []
            for k in range(ROWS_PER_SUB):
                a0 = pl.multiple_of(lax.bitwise_and(a_vec[k], -8), 8)
                copies.append(
                    pltpu.async_copy(
                        x_hbm.at[pl.ds(a0, 8), :], rows_v.at[k], sem
                    )
                )
            for c in copies:
                c.wait()
            sub = lax.bitwise_and(a_vec, 7)
            lane = lax.iota(jnp.int32, SC_LANES) + base
            val_v[...] = plsc.load_gather(
                rows_v, [lax.iota(jnp.int32, SC_LANES), sub, lane]
            )
            pltpu.sync_copy(val_v, out_hbm.at[pl.ds(base, ROWS_PER_SUB)])

    return sc_kernel(actions_i32, xt)


def kernel(logits, actions):
    xt = logits.T
    gathered = _sc_gather(actions.astype(jnp.int32), xt)
    lse, ent = _tc_reduce(xt)
    logprobs = gathered - lse[0]
    entropy = ent[0]
    return (actions, logprobs, entropy)

# --- scband reference (transcript-rebuilt; emitter-appended) ---
"""Pipeline reference for scband-categorical-dist-64037962383542 (READ-ONLY COPY).

The authoritative reference and input builder live on the scoring server;
editing this copy changes nothing except your own understanding.
"""

import jax, jax.numpy as jnp
import numpy as np

B = 128
V = 100000

def setup_inputs(seed: int = 0) -> dict:
    key = jax.random.key(seed)
    k1, k2 = jax.random.split(key)
    logits = jax.random.normal(k1, (B, V), dtype=jnp.float32)
    actions = jax.random.randint(k2, (B,), 0, V, dtype=jnp.int64) if jax.config.jax_enable_x64 else jax.random.randint(k2, (B,), 0, V, dtype=jnp.int32).astype(jnp.int32)
    return {"logits": logits, "actions": actions}

def reference(logits, actions):
    # torch.distributions.Categorical(logits=logits):
    #   normalized logits = logits - logsumexp(logits)
    #   log_prob(a) = normalized_logits[a]
    #   entropy = -sum(p * log p)
    logp = jax.nn.log_softmax(logits, axis=-1)
    logprobs = jnp.take_along_axis(logp, actions[:, None], axis=-1).squeeze(-1)
    probs = jnp.exp(logp)
    entropy = -jnp.sum(probs * logp, axis=-1)
    return (actions, logprobs, entropy)

if __name__ == "__main__":
    import jax
    _d = setup_inputs()
    print(jax.jit(kernel)(*tuple(_d.values())))

</pallas_src>

<mosaic_0001>
#map = affine_map<(d0, d1) -> (0)>
#map1 = affine_map<(d0, d1) -> (0, 0)>
module attributes {stable_mosaic.version = 14 : i64} {
  func.func @sc_kernel(%arg0: i32, %arg1: i32, %arg2: memref<128xi32, #tpu.memory_space<hbm>>, %arg3: memref<100000x128xf32, #tpu.memory_space<hbm>>, %arg4: memref<128xf32, #tpu.memory_space<hbm>>, %arg5: memref<16xi32, #tpu.memory_space<vmem>>, %arg6: memref<16x8x128xf32, #tpu.memory_space<vmem>>, %arg7: memref<16xf32, #tpu.memory_space<vmem>>, %arg8: memref<!tpu.dma_semaphore, #tpu.memory_space<semaphore_mem>>) attributes {dimension_semantics = [#tpu.dimension_semantics<core_parallel>, #tpu.dimension_semantics<subcore_parallel>], iteration_bounds = array<i64: 1, 16>, scalar_prefetch = 0 : i64, scratch_operands = 4 : i64, tpu.core_type = #tpu.core_type<sc_vector_subcore>, window_params = [{transform_indices = #map}, {transform_indices = #map1}, {transform_indices = #map}]} {
    %lt3A = arith.constant 8 : i32
    %lt3A_0 = arith.cmpi slt, %arg1, %lt3A : i32
    %convert_element_type3A = arith.extui %lt3A_0 : i1 to i32
    %cond3A = arith.constant 0 : i32
    %cond3A_1 = arith.cmpi ne, %convert_element_type3A, %cond3A : i32
    scf.if %cond3A_1 {
      %mul3A = arith.constant 16 : i32
      %mul3A_2 = arith.muli %arg1, %mul3A : i32
      "tpu.region"() ({
        %run_scoped3A = tpu.sem_alloc : memref<!tpu.dma_semaphore, #tpu.memory_space<semaphore_mem>>
        %dma_start3A_500 = tpu.memref_slice %arg2[%mul3A_2] : memref<128xi32, #tpu.memory_space<hbm>> -> memref<16xi32, #tpu.memory_space<hbm>>
        %dma_start3A_501 = tpu.memref_slice %arg2[%mul3A_2] : memref<128xi32, #tpu.memory_space<hbm>> -> memref<16xi32, #tpu.memory_space<hbm>>
        tpu.enqueue_dma source(%dma_start3A_501 : memref<16xi32, #tpu.memory_space<hbm>>) target(%arg5 : memref<16xi32, #tpu.memory_space<vmem>>) target_semaphore(%run_scoped3A : memref<!tpu.dma_semaphore, #tpu.memory_space<semaphore_mem>>)
        %dma_wait3A_502 = tpu.memref_slice %arg2[%mul3A_2] : memref<128xi32, #tpu.memory_space<hbm>> -> memref<16xi32, #tpu.memory_space<hbm>>
        %dma_wait3A_503 = tpu.memref_slice %arg2[%mul3A_2] : memref<128xi32, #tpu.memory_space<hbm>> -> memref<16xi32, #tpu.memory_space<hbm>>
        tpu.wait_dma2 semaphore(%run_scoped3A : memref<!tpu.dma_semaphore, #tpu.memory_space<semaphore_mem>>) src(%dma_wait3A_503 : memref<16xi32, #tpu.memory_space<hbm>>) dst(%arg5 : memref<16xi32, #tpu.memory_space<vmem>>)
        tpu.yield
      }) : () -> ()
      %get3A = arith.constant 0 : index
      %get3A_3 = tpu.vector_load %arg5[%get3A] {strides = array<i32>} : memref<16xi32, #tpu.memory_space<vmem>>, vector<16xi32>,
      %slice3A = vector.extract_strided_slice %get3A_3 {offsets = [0], sizes = [1], strides = [1]} : vector<16xi32> to vector<1xi32>
      %squeeze3A = vector.extract %slice3A[0] : i32 from vector<1xi32>
      %and3A = arith.constant -8 : i32
      %and3A_4 = arith.andi %squeeze3A, %and3A : i32
      %multiple_of3A = tpu.assume_multiple %and3A_4, 8 : i32
      %dma_start3A = arith.constant 0 : i32
      %dma_start3A_5 = arith.constant 0 : i32
      %dma_start3A_6 = arith.constant 0 : i32
      %dma_start3A_7 = tpu.memref_slice %arg6[%dma_start3A, %dma_start3A_5, %dma_start3A_6] : memref<16x8x128xf32, #tpu.memory_space<vmem>> -> memref<1x8x128xf32, #tpu.memory_space<vmem>>
      %dma_start3A_8 = tpu.memref_squeeze %dma_start3A_7 : memref<1x8x128xf32, #tpu.memory_space<vmem>> -> memref<8x128xf32, #tpu.memory_space<vmem>>
      %dma_start3A_9 = arith.constant 0 : i32
      %dma_start3A_10 = tpu.memref_slice %arg3[%multiple_of3A, %dma_start3A_9] : memref<100000x128xf32, #tpu.memory_space<hbm>> -> memref<8x128xf32, #tpu.memory_space<hbm>>
      %dma_start3A_11 = arith.constant 0 : i32
      %dma_start3A_12 = arith.constant 0 : i32
      %dma_start3A_13 = tpu.memref_slice %arg6[%dma_start3A, %dma_start3A_11, %dma_start3A_12] : memref<16x8x128xf32, #tpu.memory_space<vmem>> -> memref<1x8x128xf32, #tpu.memory_space<vmem>>
      %dma_start3A_14 = tpu.memref_squeeze %dma_start3A_13 : memref<1x8x128xf32, #tpu.memory_space<vmem>> -> memref<8x128xf32, #tpu.memory_space<vmem>>
      %dma_start3A_15 = arith.constant 0 : i32
      %dma_start3A_16 = tpu.memref_slice %arg3[%multiple_of3A, %dma_start3A_15] : memref<100000x128xf32, #tpu.memory_space<hbm>> -> memref<8x128xf32, #tpu.memory_space<hbm>>
      tpu.enqueue_dma source(%dma_start3A_16 : memref<8x128xf32, #tpu.memory_space<hbm>>) target(%dma_start3A_14 : memref<8x128xf32, #tpu.memory_space<vmem>>) target_semaphore(%arg8 : memref<!tpu.dma_semaphore, #tpu.memory_space<semaphore_mem>>)
      %slice3A_17 = vector.extract_strided_slice %get3A_3 {offsets = [1], sizes = [1], strides = [1]} : vector<16xi32> to vector<1xi32>
      %squeeze3A_18 = vector.extract %slice3A_17[0] : i32 from vector<1xi32>
      %and3A_19 = arith.constant -8 : i32
      %and3A_20 = arith.andi %squeeze3A_18, %and3A_19 : i32
      %multiple_of3A_21 = tpu.assume_multiple %and3A_20, 8 : i32
      %dma_start3A_22 = arith.constant 1 : i32
      %dma_start3A_23 = arith.constant 0 : i32
      %dma_start3A_24 = arith.constant 0 : i32
      %dma_start3A_25 = tpu.memref_slice %arg6[%dma_start3A_22, %dma_start3A_23, %dma_start3A_24] : memref<16x8x128xf32, #tpu.memory_space<vmem>> -> memref<1x8x128xf32, #tpu.memory_space<vmem>>
      %dma_start3A_26 = tpu.memref_squeeze %dma_start3A_25 : memref<1x8x128xf32, #tpu.memory_space<vmem>> -> memref<8x128xf32, #tpu.memory_space<vmem>>
      %dma_start3A_27 = arith.constant 0 : i32
      %dma_start3A_28 = tpu.memref_slice %arg3[%multiple_of3A_21, %dma_start3A_27] : memref<100000x128xf32, #tpu.memory_space<hbm>> -> memref<8x128xf32, #tpu.memory_space<hbm>>
      %dma_start3A_29 = arith.constant 0 : i32
      %dma_start3A_30 = arith.constant 0 : i32
      %dma_start3A_31 = tpu.memref_slice %arg6[%dma_start3A_22, %dma_start3A_29, %dma_start3A_30] : memref<16x8x128xf32, #tpu.memory_space<vmem>> -> memref<1x8x128xf32, #tpu.memory_space<vmem>>
      %dma_start3A_32 = tpu.memref_squeeze %dma_start3A_31 : memref<1x8x128xf32, #tpu.memory_space<vmem>> -> memref<8x128xf32, #tpu.memory_space<vmem>>
      %dma_start3A_33 = arith.constant 0 : i32
      %dma_start3A_34 = tpu.memref_slice %arg3[%multiple_of3A_21, %dma_start3A_33] : memref<100000x128xf32, #tpu.memory_space<hbm>> -> memref<8x128xf32, #tpu.memory_space<hbm>>
      tpu.enqueue_dma source(%dma_start3A_34 : memref<8x128xf32, #tpu.memory_space<hbm>>) target(%dma_start3A_32 : memref<8x128xf32, #tpu.memory_space<vmem>>) target_semaphore(%arg8 : memref<!tpu.dma_semaphore, #tpu.memory_space<semaphore_mem>>)
      %slice3A_35 = vector.extract_strided_slice %get3A_3 {offsets = [2], sizes = [1], strides = [1]} : vector<16xi32> to vector<1xi32>
      %squeeze3A_36 = vector.extract %slice3A_35[0] : i32 from vector<1xi32>
      %and3A_37 = arith.constant -8 : i32
      %and3A_38 = arith.andi %squeeze3A_36, %and3A_37 : i32
      %multiple_of3A_39 = tpu.assume_multiple %and3A_38, 8 : i32
      %dma_start3A_40 = arith.constant 2 : i32
      %dma_start3A_41 = arith.constant 0 : i32
      %dma_start3A_42 = arith.constant 0 : i32
      %dma_start3A_43 = tpu.memref_slice %arg6[%dma_start3A_40, %dma_start3A_41, %dma_start3A_42] : memref<16x8x128xf32, #tpu.memory_space<vmem>> -> memref<1x8x128xf32, #tpu.memory_space<vmem>>
      %dma_start3A_44 = tpu.memref_squeeze %dma_start3A_43 : memref<1x8x128xf32, #tpu.memory_space<vmem>> -> memref<8x128xf32, #tpu.memory_space<vmem>>
      %dma_start3A_45 = arith.constant 0 : i32
      %dma_start3A_46 = tpu.memref_slice %arg3[%multiple_of3A_39, %dma_start3A_45] : memref<100000x128xf32, #tpu.memory_space<hbm>> -> memref<8x128xf32, #tpu.memory_space<hbm>>
      %dma_start3A_47 = arith.constant 0 : i32
      %dma_start3A_48 = arith.constant 0 : i32
      %dma_start3A_49 = tpu.memref_slice %arg6[%dma_start3A_40, %dma_start3A_47, %dma_start3A_48] : memref<16x8x128xf32, #tpu.memory_space<vmem>> -> memref<1x8x128xf32, #tpu.memory_space<vmem>>
      %dma_start3A_50 = tpu.memref_squeeze %dma_start3A_49 : memref<1x8x128xf32, #tpu.memory_space<vmem>> -> memref<8x128xf32, #tpu.memory_space<vmem>>
      %dma_start3A_51 = arith.constant 0 : i32
      %dma_start3A_52 = tpu.memref_slice %arg3[%multiple_of3A_39, %dma_start3A_51] : memref<100000x128xf32, #tpu.memory_space<hbm>> -> memref<8x128xf32, #tpu.memory_space<hbm>>
      tpu.enqueue_dma source(%dma_start3A_52 : memref<8x128xf32, #tpu.memory_space<hbm>>) target(%dma_start3A_50 : memref<8x128xf32, #tpu.memory_space<vmem>>) target_semaphore(%arg8 : memref<!tpu.dma_semaphore, #tpu.memory_space<semaphore_mem>>)
      %slice3A_53 = vector.extract_strided_slice %get3A_3 {offsets = [3], sizes = [1], strides = [1]} : vector<16xi32> to vector<1xi32>
      %squeeze3A_54 = vector.extract %slice3A_53[0] : i32 from vector<1xi32>
      %and3A_55 = arith.constant -8 : i32
      %and3A_56 = arith.andi %squeeze3A_54, %and3A_55 : i32
      %multiple_of3A_57 = tpu.assume_multiple %and3A_56, 8 : i32
      %dma_start3A_58 = arith.constant 3 : i32
      %dma_start3A_59 = arith.constant 0 : i32
      %dma_start3A_60 = arith.constant 0 : i32
      %dma_start3A_61 = tpu.memref_slice %arg6[%dma_start3A_58, %dma_start3A_59, %dma_start3A_60] : memref<16x8x128xf32, #tpu.memory_space<vmem>> -> memref<1x8x128xf32, #tpu.memory_space<vmem>>
      %dma_start3A_62 = tpu.memref_squeeze %dma_start3A_61 : memref<1x8x128xf32, #tpu.memory_space<vmem>> -> memref<8x128xf32, #tpu.memory_space<vmem>>
      %dma_start3A_63 = arith.constant 0 : i32
      %dma_start3A_64 = tpu.memref_slice %arg3[%multiple_of3A_57, %dma_start3A_63] : memref<100000x128xf32, #tpu.memory_space<hbm>> -> memref<8x128xf32, #tpu.memory_space<hbm>>
      %dma_start3A_65 = arith.constant 0 : i32
      %dma_start3A_66 = arith.constant 0 : i32
      %dma_start3A_67 = tpu.memref_slice %arg6[%dma_start3A_58, %dma_start3A_65, %dma_start3A_66] : memref<16x8x128xf32, #tpu.memory_space<vmem>> -> memref<1x8x128xf32, #tpu.memory_space<vmem>>
      %dma_start3A_68 = tpu.memref_squeeze %dma_start3A_67 : memref<1x8x128xf32, #tpu.memory_space<vmem>> -> memref<8x128xf32, #tpu.memory_space<vmem>>
      %dma_start3A_69 = arith.constant 0 : i32
      %dma_start3A_70 = tpu.memref_slice %arg3[%multiple_of3A_57, %dma_start3A_69] : memref<100000x128xf32, #tpu.memory_space<hbm>> -> memref<8x128xf32, #tpu.memory_space<hbm>>
      tpu.enqueue_dma source(%dma_start3A_70 : memref<8x128xf32, #tpu.memory_space<hbm>>) target(%dma_start3A_68 : memref<8x128xf32, #tpu.memory_space<vmem>>) target_semaphore(%arg8 : memref<!tpu.dma_semaphore, #tpu.memory_space<semaphore_mem>>)
      %slice3A_71 = vector.extract_strided_slice %get3A_3 {offsets = [4], sizes = [1], strides = [1]} : vector<16xi32> to vector<1xi32>
      %squeeze3A_72 = vector.extract %slice3A_71[0] : i32 from vector<1xi32>
      %and3A_73 = arith.constant -8 : i32
      %and3A_74 = arith.andi %squeeze3A_72, %and3A_73 : i32
      %multiple_of3A_75 = tpu.assume_multiple %and3A_74, 8 : i32
      %dma_start3A_76 = arith.constant 4 : i32
      %dma_start3A_77 = arith.constant 0 : i32
      %dma_start3A_78 = arith.constant 0 : i32
      %dma_start3A_79 = tpu.memref_slice %arg6[%dma_start3A_76, %dma_start3A_77, %dma_start3A_78] : memref<16x8x128xf32, #tpu.memory_space<vmem>> -> memref<1x8x128xf32, #tpu.memory_space<vmem>>
      %dma_start3A_80 = tpu.memref_squeeze %dma_start3A_79 : memref<1x8x128xf32, #tpu.memory_space<vmem>> -> memref<8x128xf32, #tpu.memory_space<vmem>>
      %dma_start3A_81 = arith.constant 0 : i32
      %dma_start3A_82 = tpu.memref_slice %arg3[%multiple_of3A_75, %dma_start3A_81] : memref<100000x128xf32, #tpu.memory_space<hbm>> -> memref<8x128xf32, #tpu.memory_space<hbm>>
      %dma_start3A_83 = arith.constant 0 : i32
      %dma_start3A_84 = arith.constant 0 : i32
      %dma_start3A_85 = tpu.memref_slice %arg6[%dma_start3A_76, %dma_start3A_83, %dma_start3A_84] : memref<16x8x128xf32, #tpu.memory_space<vmem>> -> memref<1x8x128xf32, #tpu.memory_space<vmem>>
      %dma_start3A_86 = tpu.memref_squeeze %dma_start3A_85 : memref<1x8x128xf32, #tpu.memory_space<vmem>> -> memref<8x128xf32, #tpu.memory_space<vmem>>
      %dma_start3A_87 = arith.constant 0 : i32
      %dma_start3A_88 = tpu.memref_slice %arg3[%multiple_of3A_75, %dma_start3A_87] : memref<100000x128xf32, #tpu.memory_space<hbm>> -> memref<8x128xf32, #tpu.memory_space<hbm>>
      tpu.enqueue_dma source(%dma_start3A_88 : memref<8x128xf32, #tpu.memory_space<hbm>>) target(%dma_start3A_86 : memref<8x128xf32, #tpu.memory_space<vmem>>) target_semaphore(%arg8 : memref<!tpu.dma_semaphore, #tpu.memory_space<semaphore_mem>>)
      %slice3A_89 = vector.extract_strided_slice %get3A_3 {offsets = [5], sizes = [1], strides = [1]} : vector<16xi32> to vector<1xi32>
      %squeeze3A_90 = vector.extract %slice3A_89[0] : i32 from vector<1xi32>
      %and3A_91 = arith.constant -8 : i32
      %and3A_92 = arith.andi %squeeze3A_90, %and3A_91 : i32
      %multiple_of3A_93 = tpu.assume_multiple %and3A_92, 8 : i32
      %dma_start3A_94 = arith.constant 5 : i32
      %dma_start3A_95 = arith.constant 0 : i32
      %dma_start3A_96 = arith.constant 0 : i32
      %dma_start3A_97 = tpu.memref_slice %arg6[%dma_start3A_94, %dma_start3A_95, %dma_start3A_96] : memref<16x8x128xf32, #tpu.memory_space<vmem>> -> memref<1x8x128xf32, #tpu.memory_space<vmem>>
      %dma_start3A_98 = tpu.memref_squeeze %dma_start3A_97 : memref<1x8x128xf32, #tpu.memory_space<vmem>> -> memref<8x128xf32, #tpu.memory_space<vmem>>
      %dma_start3A_99 = arith.constant 0 : i32
      %dma_start3A_100 = tpu.memref_slice %arg3[%multiple_of3A_93, %dma_start3A_99] : memref<100000x128xf32, #tpu.memory_space<hbm>> -> memref<8x128xf32, #tpu.memory_space<hbm>>
      %dma_start3A_101 = arith.constant 0 : i32
      %dma_start3A_102 = arith.constant 0 : i32
      %dma_start3A_103 = tpu.memref_slice %arg6[%dma_start3A_94, %dma_start3A_101, %dma_start3A_102] : memref<16x8x128xf32, #tpu.memory_space<vmem>> -> memref<1x8x128xf32, #tpu.memory_space<vmem>>
      %dma_start3A_104 = tpu.memref_squeeze %dma_start3A_103 : memref<1x8x128xf32, #tpu.memory_space<vmem>> -> memref<8x128xf32, #tpu.memory_space<vmem>>
      %dma_start3A_105 = arith.constant 0 : i32
      %dma_start3A_106 = tpu.memref_slice %arg3[%multiple_of3A_93, %dma_start3A_105] : memref<100000x128xf32, #tpu.memory_space<hbm>> -> memref<8x128xf32, #tpu.memory_space<hbm>>
      tpu.enqueue_dma source(%dma_start3A_106 : memref<8x128xf32, #tpu.memory_space<hbm>>) target(%dma_start3A_104 : memref<8x128xf32, #tpu.memory_space<vmem>>) target_semaphore(%arg8 : memref<!tpu.dma_semaphore, #tpu.memory_space<semaphore_mem>>)
      %slice3A_107 = vector.extract_strided_slice %get3A_3 {offsets = [6], sizes = [1], strides = [1]} : vector<16xi32> to vector<1xi32>
      %squeeze3A_108 = vector.extract %slice3A_107[0] : i32 from vector<1xi32>
      %and3A_109 = arith.constant -8 : i32
      %and3A_110 = arith.andi %squeeze3A_108, %and3A_109 : i32
      %multiple_of3A_111 = tpu.assume_multiple %and3A_110, 8 : i32
      %dma_start3A_112 = arith.constant 6 : i32
      %dma_start3A_113 = arith.constant 0 : i32
      %dma_start3A_114 = arith.constant 0 : i32
      %dma_start3A_115 = tpu.memref_slice %arg6[%dma_start3A_112, %dma_start3A_113, %dma_start3A_114] : memref<16x8x128xf32, #tpu.memory_space<vmem>> -> memref<1x8x128xf32, #tpu.memory_space<vmem>>
      %dma_start3A_116 = tpu.memref_squeeze %dma_start3A_115 : memref<1x8x128xf32, #tpu.memory_space<vmem>> -> memref<8x128xf32, #tpu.memory_space<vmem>>
      %dma_start3A_117 = arith.constant 0 : i32
      %dma_start3A_118 = tpu.memref_slice %arg3[%multiple_of3A_111, %dma_start3A_117] : memref<100000x128xf32, #tpu.memory_space<hbm>> -> memref<8x128xf32, #tpu.memory_space<hbm>>
      %dma_start3A_119 = arith.constant 0 : i32
      %dma_start3A_120 = arith.constant 0 : i32
      %dma_start3A_121 = tpu.memref_slice %arg6[%dma_start3A_112, %dma_start3A_119, %dma_start3A_120] : memref<16x8x128xf32, #tpu.memory_space<vmem>> -> memref<1x8x128xf32, #tpu.memory_space<vmem>>
      %dma_start3A_122 = tpu.memref_squeeze %dma_start3A_121 : memref<1x8x128xf32, #tpu.memory_space<vmem>> -> memref<8x128xf32, #tpu.memory_space<vmem>>
      %dma_start3A_123 = arith.constant 0 : i32
      %dma_start3A_124 = tpu.memref_slice %arg3[%multiple_of3A_111, %dma_start3A_123] : memref<100000x128xf32, #tpu.memory_space<hbm>> -> memref<8x128xf32, #tpu.memory_space<hbm>>
      tpu.enqueue_dma source(%dma_start3A_124 : memref<8x128xf32, #tpu.memory_space<hbm>>) target(%dma_start3A_122 : memref<8x128xf32, #tpu.memory_space<vmem>>) target_semaphore(%arg8 : memref<!tpu.dma_semaphore, #tpu.memory_space<semaphore_mem>>)
      %slice3A_125 = vector.extract_strided_slice %get3A_3 {offsets = [7], sizes = [1], strides = [1]} : vector<16xi32> to vector<1xi32>
      %squeeze3A_126 = vector.extract %slice3A_125[0] : i32 from vector<1xi32>
      %and3A_127 = arith.constant -8 : i32
      %and3A_128 = arith.andi %squeeze3A_126, %and3A_127 : i32
      %multiple_of3A_129 = tpu.assume_multiple %and3A_128, 8 : i32
      %dma_start3A_130 = arith.constant 7 : i32
      %dma_start3A_131 = arith.constant 0 : i32
      %dma_start3A_132 = arith.constant 0 : i32
      %dma_start3A_133 = tpu.memref_slice %arg6[%dma_start3A_130, %dma_start3A_131, %dma_start3A_132] : memref<16x8x128xf32, #tpu.memory_space<vmem>> -> memref<1x8x128xf32, #tpu.memory_space<vmem>>
      %dma_start3A_134 = tpu.memref_squeeze %dma_start3A_133 : memref<1x8x128xf32, #tpu.memory_space<vmem>> -> memref<8x128xf32, #tpu.memory_space<vmem>>
      %dma_start3A_135 = arith.constant 0 : i32
      %dma_start3A_136 = tpu.memref_slice %arg3[%multiple_of3A_129, %dma_start3A_135] : memref<100000x128xf32, #tpu.memory_space<hbm>> -> memref<8x128xf32, #tpu.memory_space<hbm>>
      %dma_start3A_137 = arith.constant 0 : i32
      %dma_start3A_138 = arith.constant 0 : i32
      %dma_start3A_139 = tpu.memref_slice %arg6[%dma_start3A_130, %dma_start3A_137, %dma_start3A_138] : memref<16x8x128xf32, #tpu.memory_space<vmem>> -> memref<1x8x128xf32, #tpu.memory_space<vmem>>
      %dma_start3A_140 = tpu.memref_squeeze %dma_start3A_139 : memref<1x8x128xf32, #tpu.memory_space<vmem>> -> memref<8x128xf32, #tpu.memory_space<vmem>>
      %dma_start3A_141 = arith.constant 0 : i32
      %dma_start3A_142 = tpu.memref_slice %arg3[%multiple_of3A_129, %dma_start3A_141] : memref<100000x128xf32, #tpu.memory_space<hbm>> -> memref<8x128xf32, #tpu.memory_space<hbm>>
      tpu.enqueue_dma source(%dma_start3A_142 : memref<8x128xf32, #tpu.memory_space<hbm>>) target(%dma_start3A_140 : memref<8x128xf32, #tpu.memory_space<vmem>>) target_semaphore(%arg8 : memref<!tpu.dma_semaphore, #tpu.memory_space<semaphore_mem>>)
      %slice3A_143 = vector.extract_strided_slice %get3A_3 {offsets = [8], sizes = [1], strides = [1]} : vector<16xi32> to vector<1xi32>
      %squeeze3A_144 = vector.extract %slice3A_143[0] : i32 from vector<1xi32>
      %and3A_145 = arith.constant -8 : i32
      %and3A_146 = arith.andi %squeeze3A_144, %and3A_145 : i32
      %multiple_of3A_147 = tpu.assume_multiple %and3A_146, 8 : i32
      %dma_start3A_148 = arith.constant 8 : i32
      %dma_start3A_149 = arith.constant 0 : i32
      %dma_start3A_150 = arith.constant 0 : i32
      %dma_start3A_151 = tpu.memref_slice %arg6[%dma_start3A_148, %dma_start3A_149, %dma_start3A_150] : memref<16x8x128xf32, #tpu.memory_space<vmem>> -> memref<1x8x128xf32, #tpu.memory_space<vmem>>
      %dma_start3A_152 = tpu.memref_squeeze %dma_start3A_151 : memref<1x8x128xf32, #tpu.memory_space<vmem>> -> memref<8x128xf32, #tpu.memory_space<vmem>>
      %dma_start3A_153 = arith.constant 0 : i32
      %dma_start3A_154 = tpu.memref_slice %arg3[%multiple_of3A_147, %dma_start3A_153] : memref<100000x128xf32, #tpu.memory_space<hbm>> -> memref<8x128xf32, #tpu.memory_space<hbm>>
      %dma_start3A_155 = arith.constant 0 : i32
      %dma_start3A_156 = arith.constant 0 : i32
      %dma_start3A_157 = tpu.memref_slice %arg6[%dma_start3A_148, %dma_start3A_155, %dma_start3A_156] : memref<16x8x128xf32, #tpu.memory_space<vmem>> -> memref<1x8x128xf32, #tpu.memory_space<vmem>>
      %dma_start3A_158 = tpu.memref_squeeze %dma_start3A_157 : memref<1x8x128xf32, #tpu.memory_space<vmem>> -> memref<8x128xf32, #tpu.memory_space<vmem>>
      %dma_start3A_159 = arith.constant 0 : i32
      %dma_start3A_160 = tpu.memref_slice %arg3[%multiple_of3A_147, %dma_start3A_159] : memref<100000x128xf32, #tpu.memory_space<hbm>> -> memref<8x128xf32, #tpu.memory_space<hbm>>
      tpu.enqueue_dma source(%dma_start3A_160 : memref<8x128xf32, #tpu.memory_space<hbm>>) target(%dma_start3A_158 : memref<8x128xf32, #tpu.memory_space<vmem>>) target_semaphore(%arg8 : memref<!tpu.dma_semaphore, #tpu.memory_space<semaphore_mem>>)
      %slice3A_161 = vector.extract_strided_slice %get3A_3 {offsets = [9], sizes = [1], strides = [1]} : vector<16xi32> to vector<1xi32>
      %squeeze3A_162 = vector.extract %slice3A_161[0] : i32 from vector<1xi32>
      %and3A_163 = arith.constant -8 : i32
      %and3A_164 = arith.andi %squeeze3A_162, %and3A_163 : i32
      %multiple_of3A_165 = tpu.assume_multiple %and3A_164, 8 : i32
      %dma_start3A_166 = arith.constant 9 : i32
      %dma_start3A_167 = arith.constant 0 : i32
      %dma_start3A_168 = arith.constant 0 : i32
      %dma_start3A_169 = tpu.memref_slice %arg6[%dma_start3A_166, %dma_start3A_167, %dma_start3A_168] : memref<16x8x128xf32, #tpu.memory_space<vmem>> -> memref<1x8x128xf32, #tpu.memory_space<vmem>>
      %dma_start3A_170 = tpu.memref_squeeze %dma_start3A_169 : memref<1x8x128xf32, #tpu.memory_space<vmem>> -> memref<8x128xf32, #tpu.memory_space<vmem>>
      %dma_start3A_171 = arith.constant 0 : i32
      %dma_start3A_172 = tpu.memref_slice %arg3[%multiple_of3A_165, %dma_start3A_171] : memref<100000x128xf32, #tpu.memory_space<hbm>> -> memref<8x128xf32, #tpu.memory_space<hbm>>
      %dma_start3A_173 = arith.constant 0 : i32
      %dma_start3A_174 = arith.constant 0 : i32
      %dma_start3A_175 = tpu.memref_slice %arg6[%dma_start3A_166, %dma_start3A_173, %dma_start3A_174] : memref<16x8x128xf32, #tpu.memory_space<vmem>> -> memref<1x8x128xf32, #tpu.memory_space<vmem>>
      %dma_start3A_176 = tpu.memref_squeeze %dma_start3A_175 : memref<1x8x128xf32, #tpu.memory_space<vmem>> -> memref<8x128xf32, #tpu.memory_space<vmem>>
      %dma_start3A_177 = arith.constant 0 : i32
      %dma_start3A_178 = tpu.memref_slice %arg3[%multiple_of3A_165, %dma_start3A_177] : memref<100000x128xf32, #tpu.memory_space<hbm>> -> memref<8x128xf32, #tpu.memory_space<hbm>>
      tpu.enqueue_dma source(%dma_start3A_178 : memref<8x128xf32, #tpu.memory_space<hbm>>) target(%dma_start3A_176 : memref<8x128xf32, #tpu.memory_space<vmem>>) target_semaphore(%arg8 : memref<!tpu.dma_semaphore, #tpu.memory_space<semaphore_mem>>)
      %slice3A_179 = vector.extract_strided_slice %get3A_3 {offsets = [10], sizes = [1], strides = [1]} : vector<16xi32> to vector<1xi32>
      %squeeze3A_180 = vector.extract %slice3A_179[0] : i32 from vector<1xi32>
      %and3A_181 = arith.constant -8 : i32
      %and3A_182 = arith.andi %squeeze3A_180, %and3A_181 : i32
      %multiple_of3A_183 = tpu.assume_multiple %and3A_182, 8 : i32
      %dma_start3A_184 = arith.constant 10 : i32
      %dma_start3A_185 = arith.constant 0 : i32
      %dma_start3A_186 = arith.constant 0 : i32
      %dma_start3A_187 = tpu.memref_slice %arg6[%dma_start3A_184, %dma_start3A_185, %dma_start3A_186] : memref<16x8x128xf32, #tpu.memory_space<vmem>> -> memref<1x8x128xf32, #tpu.memory_space<vmem>>
      %dma_start3A_188 = tpu.memref_squeeze %dma_start3A_187 : memref<1x8x128xf32, #tpu.memory_space<vmem>> -> memref<8x128xf32, #tpu.memory_space<vmem>>
      %dma_start3A_189 = arith.constant 0 : i32
      %dma_start3A_190 = tpu.memref_slice %arg3[%multiple_of3A_183, %dma_start3A_189] : memref<100000x128xf32, #tpu.memory_space<hbm>> -> memref<8x128xf32, #tpu.memory_space<hbm>>
      %dma_start3A_191 = arith.constant 0 : i32
      %dma_start3A_192 = arith.constant 0 : i32
      %dma_start3A_193 = tpu.memref_slice %arg6[%dma_start3A_184, %dma_start3A_191, %dma_start3A_192] : memref<16x8x128xf32, #tpu.memory_space<vmem>> -> memref<1x8x128xf32, #tpu.memory_space<vmem>>
      %dma_start3A_194 = tpu.memref_squeeze %dma_start3A_193 : memref<1x8x128xf32, #tpu.memory_space<vmem>> -> memref<8x128xf32, #tpu.memory_space<vmem>>
      %dma_start3A_195 = arith.constant 0 : i32
      %dma_start3A_196 = tpu.memref_slice %arg3[%multiple_of3A_183, %dma_start3A_195] : memref<100000x128xf32, #tpu.memory_space<hbm>> -> memref<8x128xf32, #tpu.memory_space<hbm>>
      tpu.enqueue_dma source(%dma_start3A_196 : memref<8x128xf32, #tpu.memory_space<hbm>>) target(%dma_start3A_194 : memref<8x128xf32, #tpu.memory_space<vmem>>) target_semaphore(%arg8 : memref<!tpu.dma_semaphore, #tpu.memory_space<semaphore_mem>>)
      %slice3A_197 = vector.extract_strided_slice %get3A_3 {offsets = [11], sizes = [1], strides = [1]} : vector<16xi32> to vector<1xi32>
      %squeeze3A_198 = vector.extract %slice3A_197[0] : i32 from vector<1xi32>
      %and3A_199 = arith.constant -8 : i32
      %and3A_200 = arith.andi %squeeze3A_198, %and3A_199 : i32
      %multiple_of3A_201 = tpu.assume_multiple %and3A_200, 8 : i32
      %dma_start3A_202 = arith.constant 11 : i32
      %dma_start3A_203 = arith.constant 0 : i32
      %dma_start3A_204 = arith.constant 0 : i32
      %dma_start3A_205 = tpu.memref_slice %arg6[%dma_start3A_202, %dma_start3A_203, %dma_start3A_204] : memref<16x8x128xf32, #tpu.memory_space<vmem>> -> memref<1x8x128xf32, #tpu.memory_space<vmem>>
      %dma_start3A_206 = tpu.memref_squeeze %dma_start3A_205 : memref<1x8x128xf32, #tpu.memory_space<vmem>> -> memref<8x128xf32, #tpu.memory_space<vmem>>
      %dma_start3A_207 = arith.constant 0 : i32
      %dma_start3A_208 = tpu.memref_slice %arg3[%multiple_of3A_201, %dma_start3A_207] : memref<100000x128xf32, #tpu.memory_space<hbm>> -> memref<8x128xf32, #tpu.memory_space<hbm>>
      %dma_start3A_209 = arith.constant 0 : i32
      %dma_start3A_210 = arith.constant 0 : i32
      %dma_start3A_211 = tpu.memref_slice %arg6[%dma_start3A_202, %dma_start3A_209, %dma_start3A_210] : memref<16x8x128xf32, #tpu.memory_space<vmem>> -> memref<1x8x128xf32, #tpu.memory_space<vmem>>
      %dma_start3A_212 = tpu.memref_squeeze %dma_start3A_211 : memref<1x8x128xf32, #tpu.memory_space<vmem>> -> memref<8x128xf32, #tpu.memory_space<vmem>>
      %dma_start3A_213 = arith.constant 0 : i32
      %dma_start3A_214 = tpu.memref_slice %arg3[%multiple_of3A_201, %dma_start3A_213] : memref<100000x128xf32, #tpu.memory_space<hbm>> -> memref<8x128xf32, #tpu.memory_space<hbm>>
      tpu.enqueue_dma source(%dma_start3A_214 : memref<8x128xf32, #tpu.memory_space<hbm>>) target(%dma_start3A_212 : memref<8x128xf32, #tpu.memory_space<vmem>>) target_semaphore(%arg8 : memref<!tpu.dma_semaphore, #tpu.memory_space<semaphore_mem>>)
      %slice3A_215 = vector.extract_strided_slice %get3A_3 {offsets = [12], sizes = [1], strides = [1]} : vector<16xi32> to vector<1xi32>
      %squeeze3A_216 = vector.extract %slice3A_215[0] : i32 from vector<1xi32>
      %and3A_217 = arith.constant -8 : i32
      %and3A_218 = arith.andi %squeeze3A_216, %and3A_217 : i32
      %multiple_of3A_219 = tpu.assume_multiple %and3A_218, 8 : i32
      %dma_start3A_220 = arith.constant 12 : i32
      %dma_start3A_221 = arith.constant 0 : i32
      %dma_start3A_222 = arith.constant 0 : i32
      %dma_start3A_223 = tpu.memref_slice %arg6[%dma_start3A_220, %dma_start3A_221, %dma_start3A_222] : memref<16x8x128xf32, #tpu.memory_space<vmem>> -> memref<1x8x128xf32, #tpu.memory_space<vmem>>
      %dma_start3A_224 = tpu.memref_squeeze %dma_start3A_223 : memref<1x8x128xf32, #tpu.memory_space<vmem>> -> memref<8x128xf32, #tpu.memory_space<vmem>>
      %dma_start3A_225 = arith.constant 0 : i32
      %dma_start3A_226 = tpu.memref_slice %arg3[%multiple_of3A_219, %dma_start3A_225] : memref<100000x128xf32, #tpu.memory_space<hbm>> -> memref<8x128xf32, #tpu.memory_space<hbm>>
      %dma_start3A_227 = arith.constant 0 : i32
      %dma_start3A_228 = arith.constant 0 : i32
      %dma_start3A_229 = tpu.memref_slice %arg6[%dma_start3A_220, %dma_start3A_227, %dma_start3A_228] : memref<16x8x128xf32, #tpu.memory_space<vmem>> -> memref<1x8x128xf32, #tpu.memory_space<vmem>>
      %dma_start3A_230 = tpu.memref_squeeze %dma_start3A_229 : memref<1x8x128xf32, #tpu.memory_space<vmem>> -> memref<8x128xf32, #tpu.memory_space<vmem>>
      %dma_start3A_231 = arith.constant 0 : i32
      %dma_start3A_232 = tpu.memref_slice %arg3[%multiple_of3A_219, %dma_start3A_231] : memref<100000x128xf32, #tpu.memory_space<hbm>> -> memref<8x128xf32, #tpu.memory_space<hbm>>
      tpu.enqueue_dma source(%dma_start3A_232 : memref<8x128xf32, #tpu.memory_space<hbm>>) target(%dma_start3A_230 : memref<8x128xf32, #tpu.memory_space<vmem>>) target_semaphore(%arg8 : memref<!tpu.dma_semaphore, #tpu.memory_space<semaphore_mem>>)
      %slice3A_233 = vector.extract_strided_slice %get3A_3 {offsets = [13], sizes = [1], strides = [1]} : vector<16xi32> to vector<1xi32>
      %squeeze3A_234 = vector.extract %slice3A_233[0] : i32 from vector<1xi32>
      %and3A_235 = arith.constant -8 : i32
      %and3A_236 = arith.andi %squeeze3A_234, %and3A_235 : i32
      %multiple_of3A_237 = tpu.assume_multiple %and3A_236, 8 : i32
      %dma_start3A_238 = arith.constant 13 : i32
      %dma_start3A_239 = arith.constant 0 : i32
      %dma_start3A_240 = arith.constant 0 : i32
      %dma_start3A_241 = tpu.memref_slice %arg6[%dma_start3A_238, %dma_start3A_239, %dma_start3A_240] : memref<16x8x128xf32, #tpu.memory_space<vmem>> -> memref<1x8x128xf32, #tpu.memory_space<vmem>>
      %dma_start3A_242 = tpu.memref_squeeze %dma_start3A_241 : memref<1x8x128xf32, #tpu.memory_space<vmem>> -> memref<8x128xf32, #tpu.memory_space<vmem>>
      %dma_start3A_243 = arith.constant 0 : i32
      %dma_start3A_244 = tpu.memref_slice %arg3[%multiple_of3A_237, %dma_start3A_243] : memref<100000x128xf32, #tpu.memory_space<hbm>> -> memref<8x128xf32, #tpu.memory_space<hbm>>
      %dma_start3A_245 = arith.constant 0 : i32
      %dma_start3A_246 = arith.constant 0 : i32
      %dma_start3A_247 = tpu.memref_slice %arg6[%dma_start3A_238, %dma_start3A_245, %dma_start3A_246] : memref<16x8x128xf32, #tpu.memory_space<vmem>> -> memref<1x8x128xf32, #tpu.memory_space<vmem>>
      %dma_start3A_248 = tpu.memref_squeeze %dma_start3A_247 : memref<1x8x128xf32, #tpu.memory_space<vmem>> -> memref<8x128xf32, #tpu.memory_space<vmem>>
      %dma_start3A_249 = arith.constant 0 : i32
      %dma_start3A_250 = tpu.memref_slice %arg3[%multiple_of3A_237, %dma_start3A_249] : memref<100000x128xf32, #tpu.memory_space<hbm>> -> memref<8x128xf32, #tpu.memory_space<hbm>>
      tpu.enqueue_dma source(%dma_start3A_250 : memref<8x128xf32, #tpu.memory_space<hbm>>) target(%dma_start3A_248 : memref<8x128xf32, #tpu.memory_space<vmem>>) target_semaphore(%arg8 : memref<!tpu.dma_semaphore, #tpu.memory_space<semaphore_mem>>)
      %slice3A_251 = vector.extract_strided_slice %get3A_3 {offsets = [14], sizes = [1], strides = [1]} : vector<16xi32> to vector<1xi32>
      %squeeze3A_252 = vector.extract %slice3A_251[0] : i32 from vector<1xi32>
      %and3A_253 = arith.constant -8 : i32
      %and3A_254 = arith.andi %squeeze3A_252, %and3A_253 : i32
      %multiple_of3A_255 = tpu.assume_multiple %and3A_254, 8 : i32
      %dma_start3A_256 = arith.constant 14 : i32
      %dma_start3A_257 = arith.constant 0 : i32
      %dma_start3A_258 = arith.constant 0 : i32
      %dma_start3A_259 = tpu.memref_slice %arg6[%dma_start3A_256, %dma_start3A_257, %dma_start3A_258] : memref<16x8x128xf32, #tpu.memory_space<vmem>> -> memref<1x8x128xf32, #tpu.memory_space<vmem>>
      %dma_start3A_260 = tpu.memref_squeeze %dma_start3A_259 : memref<1x8x128xf32, #tpu.memory_space<vmem>> -> memref<8x128xf32, #tpu.memory_space<vmem>>
      %dma_start3A_261 = arith.constant 0 : i32
      %dma_start3A_262 = tpu.memref_slice %arg3[%multiple_of3A_255, %dma_start3A_261] : memref<100000x128xf32, #tpu.memory_space<hbm>> -> memref<8x128xf32, #tpu.memory_space<hbm>>
      %dma_start3A_263 = arith.constant 0 : i32
      %dma_start3A_264 = arith.constant 0 : i32
      %dma_start3A_265 = tpu.memref_slice %arg6[%dma_start3A_256, %dma_start3A_263, %dma_start3A_264] : memref<16x8x128xf32, #tpu.memory_space<vmem>> -> memref<1x8x128xf32, #tpu.memory_space<vmem>>
      %dma_start3A_266 = tpu.memref_squeeze %dma_start3A_265 : memref<1x8x128xf32, #tpu.memory_space<vmem>> -> memref<8x128xf32, #tpu.memory_space<vmem>>
      %dma_start3A_267 = arith.constant 0 : i32
      %dma_start3A_268 = tpu.memref_slice %arg3[%multiple_of3A_255, %dma_start3A_267] : memref<100000x128xf32, #tpu.memory_space<hbm>> -> memref<8x128xf32, #tpu.memory_space<hbm>>
      tpu.enqueue_dma source(%dma_start3A_268 : memref<8x128xf32, #tpu.memory_space<hbm>>) target(%dma_start3A_266 : memref<8x128xf32, #tpu.memory_space<vmem>>) target_semaphore(%arg8 : memref<!tpu.dma_semaphore, #tpu.memory_space<semaphore_mem>>)
      %slice3A_269 = vector.extract_strided_slice %get3A_3 {offsets = [15], sizes = [1], strides = [1]} : vector<16xi32> to vector<1xi32>
      %squeeze3A_270 = vector.extract %slice3A_269[0] : i32 from vector<1xi32>
      %and3A_271 = arith.constant -8 : i32
      %and3A_272 = arith.andi %squeeze3A_270, %and3A_271 : i32
      %multiple_of3A_273 = tpu.assume_multiple %and3A_272, 8 : i32
      %dma_start3A_274 = arith.constant 15 : i32
      %dma_start3A_275 = arith.constant 0 : i32
      %dma_start3A_276 = arith.constant 0 : i32
      %dma_start3A_277 = tpu.memref_slice %arg6[%dma_start3A_274, %dma_start3A_275, %dma_start3A_276] : memref<16x8x128xf32, #tpu.memory_space<vmem>> -> memref<1x8x128xf32, #tpu.memory_space<vmem>>
      %dma_start3A_278 = tpu.memref_squeeze %dma_start3A_277 : memref<1x8x128xf32, #tpu.memory_space<vmem>> -> memref<8x128xf32, #tpu.memory_space<vmem>>
      %dma_start3A_279 = arith.constant 0 : i32
      %dma_start3A_280 = tpu.memref_slice %arg3[%multiple_of3A_273, %dma_start3A_279] : memref<100000x128xf32, #tpu.memory_space<hbm>> -> memref<8x128xf32, #tpu.memory_space<hbm>>
      %dma_start3A_281 = arith.constant 0 : i32
      %dma_start3A_282 = arith.constant 0 : i32
      %dma_start3A_283 = tpu.memref_slice %arg6[%dma_start3A_274, %dma_start3A_281, %dma_start3A_282] : memref<16x8x128xf32, #tpu.memory_space<vmem>> -> memref<1x8x128xf32, #tpu.memory_space<vmem>>
      %dma_start3A_284 = tpu.memref_squeeze %dma_start3A_283 : memref<1x8x128xf32, #tpu.memory_space<vmem>> -> memref<8x128xf32, #tpu.memory_space<vmem>>
      %dma_start3A_285 = arith.constant 0 : i32
      %dma_start3A_286 = tpu.memref_slice %arg3[%multiple_of3A_273, %dma_start3A_285] : memref<100000x128xf32, #tpu.memory_space<hbm>> -> memref<8x128xf32, #tpu.memory_space<hbm>>
      tpu.enqueue_dma source(%dma_start3A_286 : memref<8x128xf32, #tpu.memory_space<hbm>>) target(%dma_start3A_284 : memref<8x128xf32, #tpu.memory_space<vmem>>) target_semaphore(%arg8 : memref<!tpu.dma_semaphore, #tpu.memory_space<semaphore_mem>>)
      %dma_wait3A = arith.constant 0 : i32
      %dma_wait3A_287 = arith.constant 0 : i32
      %dma_wait3A_288 = arith.constant 0 : i32
      %dma_wait3A_289 = tpu.memref_slice %arg6[%dma_wait3A, %dma_wait3A_287, %dma_wait3A_288] : memref<16x8x128xf32, #tpu.memory_space<vmem>> -> memref<1x8x128xf32, #tpu.memory_space<vmem>>
      %dma_wait3A_290 = tpu.memref_squeeze %dma_wait3A_289 : memref<1x8x128xf32, #tpu.memory_space<vmem>> -> memref<8x128xf32, #tpu.memory_space<vmem>>
      %dma_wait3A_291 = arith.constant 0 : i32
      %dma_wait3A_292 = tpu.memref_slice %arg3[%multiple_of3A, %dma_wait3A_291] : memref<100000x128xf32, #tpu.memory_space<hbm>> -> memref<8x128xf32, #tpu.memory_space<hbm>>
      %dma_wait3A_293 = arith.constant 0 : i32
      %dma_wait3A_294 = arith.constant 0 : i32
      %dma_wait3A_295 = tpu.memref_slice %arg6[%dma_wait3A, %dma_wait3A_293, %dma_wait3A_294] : memref<16x8x128xf32, #tpu.memory_space<vmem>> -> memref<1x8x128xf32, #tpu.memory_space<vmem>>
      %dma_wait3A_296 = tpu.memref_squeeze %dma_wait3A_295 : memref<1x8x128xf32, #tpu.memory_space<vmem>> -> memref<8x128xf32, #tpu.memory_space<vmem>>
      %dma_wait3A_297 = arith.constant 0 : i32
      %dma_wait3A_298 = tpu.memref_slice %arg3[%multiple_of3A, %dma_wait3A_297] : memref<100000x128xf32, #tpu.memory_space<hbm>> -> memref<8x128xf32, #tpu.memory_space<hbm>>
      tpu.wait_dma2 semaphore(%arg8 : memref<!tpu.dma_semaphore, #tpu.memory_space<semaphore_mem>>) src(%dma_wait3A_298 : memref<8x128xf32, #tpu.memory_space<hbm>>) dst(%dma_wait3A_296 : memref<8x128xf32, #tpu.memory_space<vmem>>)
      %dma_wait3A_299 = arith.constant 1 : i32
      %dma_wait3A_300 = arith.constant 0 : i32
      %dma_wait3A_301 = arith.constant 0 : i32
      %dma_wait3A_302 = tpu.memref_slice %arg6[%dma_wait3A_299, %dma_wait3A_300, %dma_wait3A_301] : memref<16x8x128xf32, #tpu.memory_space<vmem>> -> memref<1x8x128xf32, #tpu.memory_space<vmem>>
      %dma_wait3A_303 = tpu.memref_squeeze %dma_wait3A_302 : memref<1x8x128xf32, #tpu.memory_space<vmem>> -> memref<8x128xf32, #tpu.memory_space<vmem>>
      %dma_wait3A_304 = arith.constant 0 : i32
      %dma_wait3A_305 = tpu.memref_slice %arg3[%multiple_of3A_21, %dma_wait3A_304] : memref<100000x128xf32, #tpu.memory_space<hbm>> -> memref<8x128xf32, #tpu.memory_space<hbm>>
      %dma_wait3A_306 = arith.constant 0 : i32
      %dma_wait3A_307 = arith.constant 0 : i32
      %dma_wait3A_308 = tpu.memref_slice %arg6[%dma_wait3A_299, %dma_wait3A_306, %dma_wait3A_307] : memref<16x8x128xf32, #tpu.memory_space<vmem>> -> memref<1x8x128xf32, #tpu.memory_space<vmem>>
      %dma_wait3A_309 = tpu.memref_squeeze %dma_wait3A_308 : memref<1x8x128xf32, #tpu.memory_space<vmem>> -> memref<8x128xf32, #tpu.memory_space<vmem>>
      %dma_wait3A_310 = arith.constant 0 : i32
      %dma_wait3A_311 = tpu.memref_slice %arg3[%multiple_of3A_21, %dma_wait3A_310] : memref<100000x128xf32, #tpu.memory_space<hbm>> -> memref<8x128xf32, #tpu.memory_space<hbm>>
      tpu.wait_dma2 semaphore(%arg8 : memref<!tpu.dma_semaphore, #tpu.memory_space<semaphore_mem>>) src(%dma_wait3A_311 : memref<8x128xf32, #tpu.memory_space<hbm>>) dst(%dma_wait3A_309 : memref<8x128xf32, #tpu.memory_space<vmem>>)
      %dma_wait3A_312 = arith.constant 2 : i32
      %dma_wait3A_313 = arith.constant 0 : i32
      %dma_wait3A_314 = arith.constant 0 : i32
      %dma_wait3A_315 = tpu.memref_slice %arg6[%dma_wait3A_312, %dma_wait3A_313, %dma_wait3A_314] : memref<16x8x128xf32, #tpu.memory_space<vmem>> -> memref<1x8x128xf32, #tpu.memory_space<vmem>>
      %dma_wait3A_316 = tpu.memref_squeeze %dma_wait3A_315 : memref<1x8x128xf32, #tpu.memory_space<vmem>> -> memref<8x128xf32, #tpu.memory_space<vmem>>
      %dma_wait3A_317 = arith.constant 0 : i32
      %dma_wait3A_318 = tpu.memref_slice %arg3[%multiple_of3A_39, %dma_wait3A_317] : memref<100000x128xf32, #tpu.memory_space<hbm>> -> memref<8x128xf32, #tpu.memory_space<hbm>>
      %dma_wait3A_319 = arith.constant 0 : i32
      %dma_wait3A_320 = arith.constant 0 : i32
      %dma_wait3A_321 = tpu.memref_slice %arg6[%dma_wait3A_312, %dma_wait3A_319, %dma_wait3A_320] : memref<16x8x128xf32, #tpu.memory_space<vmem>> -> memref<1x8x128xf32, #tpu.memory_space<vmem>>
      %dma_wait3A_322 = tpu.memref_squeeze %dma_wait3A_321 : memref<1x8x128xf32, #tpu.memory_space<vmem>> -> memref<8x128xf32, #tpu.memory_space<vmem>>
      %dma_wait3A_323 = arith.constant 0 : i32
      %dma_wait3A_324 = tpu.memref_slice %arg3[%multiple_of3A_39, %dma_wait3A_323] : memref<100000x128xf32, #tpu.memory_space<hbm>> -> memref<8x128xf32, #tpu.memory_space<hbm>>
      tpu.wait_dma2 semaphore(%arg8 : memref<!tpu.dma_semaphore, #tpu.memory_space<semaphore_mem>>) src(%dma_wait3A_324 : memref<8x128xf32, #tpu.memory_space<hbm>>) dst(%dma_wait3A_322 : memref<8x128xf32, #tpu.memory_space<vmem>>)
      %dma_wait3A_325 = arith.constant 3 : i32
      %dma_wait3A_326 = arith.constant 0 : i32
      %dma_wait3A_327 = arith.constant 0 : i32
      %dma_wait3A_328 = tpu.memref_slice %arg6[%dma_wait3A_325, %dma_wait3A_326, %dma_wait3A_327] : memref<16x8x128xf32, #tpu.memory_space<vmem>> -> memref<1x8x128xf32, #tpu.memory_space<vmem>>
      %dma_wait3A_329 = tpu.memref_squeeze %dma_wait3A_328 : memref<1x8x128xf32, #tpu.memory_space<vmem>> -> memref<8x128xf32, #tpu.memory_space<vmem>>
      %dma_wait3A_330 = arith.constant 0 : i32
      %dma_wait3A_331 = tpu.memref_slice %arg3[%multiple_of3A_57, %dma_wait3A_330] : memref<100000x128xf32, #tpu.memory_space<hbm>> -> memref<8x128xf32, #tpu.memory_space<hbm>>
      %dma_wait3A_332 = arith.constant 0 : i32
      %dma_wait3A_333 = arith.constant 0 : i32
      %dma_wait3A_334 = tpu.memref_slice %arg6[%dma_wait3A_325, %dma_wait3A_332, %dma_wait3A_333] : memref<16x8x128xf32, #tpu.memory_space<vmem>> -> memref<1x8x128xf32, #tpu.memory_space<vmem>>
      %dma_wait3A_335 = tpu.memref_squeeze %dma_wait3A_334 : memref<1x8x128xf32, #tpu.memory_space<vmem>> -> memref<8x128xf32, #tpu.memory_space<vmem>>
      %dma_wait3A_336 = arith.constant 0 : i32
      %dma_wait3A_337 = tpu.memref_slice %arg3[%multiple_of3A_57, %dma_wait3A_336] : memref<100000x128xf32, #tpu.memory_space<hbm>> -> memref<8x128xf32, #tpu.memory_space<hbm>>
      tpu.wait_dma2 semaphore(%arg8 : memref<!tpu.dma_semaphore, #tpu.memory_space<semaphore_mem>>) src(%dma_wait3A_337 : memref<8x128xf32, #tpu.memory_space<hbm>>) dst(%dma_wait3A_335 : memref<8x128xf32, #tpu.memory_space<vmem>>)
      %dma_wait3A_338 = arith.constant 4 : i32
      %dma_wait3A_339 = arith.constant 0 : i32
      %dma_wait3A_340 = arith.constant 0 : i32
      %dma_wait3A_341 = tpu.memref_slice %arg6[%dma_wait3A_338, %dma_wait3A_339, %dma_wait3A_340] : memref<16x8x128xf32, #tpu.memory_space<vmem>> -> memref<1x8x128xf32, #tpu.memory_space<vmem>>
      %dma_wait3A_342 = tpu.memref_squeeze %dma_wait3A_341 : memref<1x8x128xf32, #tpu.memory_space<vmem>> -> memref<8x128xf32, #tpu.memory_space<vmem>>
      %dma_wait3A_343 = arith.constant 0 : i32
      %dma_wait3A_344 = tpu.memref_slice %arg3[%multiple_of3A_75, %dma_wait3A_343] : memref<100000x128xf32, #tpu.memory_space<hbm>> -> memref<8x128xf32, #tpu.memory_space<hbm>>
      %dma_wait3A_345 = arith.constant 0 : i32
      %dma_wait3A_346 = arith.constant 0 : i32
      %dma_wait3A_347 = tpu.memref_slice %arg6[%dma_wait3A_338, %dma_wait3A_345, %dma_wait3A_346] : memref<16x8x128xf32, #tpu.memory_space<vmem>> -> memref<1x8x128xf32, #tpu.memory_space<vmem>>
      %dma_wait3A_348 = tpu.memref_squeeze %dma_wait3A_347 : memref<1x8x128xf32, #tpu.memory_space<vmem>> -> memref<8x128xf32, #tpu.memory_space<vmem>>
      %dma_wait3A_349 = arith.constant 0 : i32
      %dma_wait3A_350 = tpu.memref_slice %arg3[%multiple_of3A_75, %dma_wait3A_349] : memref<100000x128xf32, #tpu.memory_space<hbm>> -> memref<8x128xf32, #tpu.memory_space<hbm>>
      tpu.wait_dma2 semaphore(%arg8 : memref<!tpu.dma_semaphore, #tpu.memory_space<semaphore_mem>>) src(%dma_wait3A_350 : memref<8x128xf32, #tpu.memory_space<hbm>>) dst(%dma_wait3A_348 : memref<8x128xf32, #tpu.memory_space<vmem>>)
      %dma_wait3A_351 = arith.constant 5 : i32
      %dma_wait3A_352 = arith.constant 0 : i32
      %dma_wait3A_353 = arith.constant 0 : i32
      %dma_wait3A_354 = tpu.memref_slice %arg6[%dma_wait3A_351, %dma_wait3A_352, %dma_wait3A_353] : memref<16x8x128xf32, #tpu.memory_space<vmem>> -> memref<1x8x128xf32, #tpu.memory_space<vmem>>
      %dma_wait3A_355 = tpu.memref_squeeze %dma_wait3A_354 : memref<1x8x128xf32, #tpu.memory_space<vmem>> -> memref<8x128xf32, #tpu.memory_space<vmem>>
      %dma_wait3A_356 = arith.constant 0 : i32
      %dma_wait3A_357 = tpu.memref_slice %arg3[%multiple_of3A_93, %dma_wait3A_356] : memref<100000x128xf32, #tpu.memory_space<hbm>> -> memref<8x128xf32, #tpu.memory_space<hbm>>
      %dma_wait3A_358 = arith.constant 0 : i32
      %dma_wait3A_359 = arith.constant 0 : i32
      %dma_wait3A_360 = tpu.memref_slice %arg6[%dma_wait3A_351, %dma_wait3A_358, %dma_wait3A_359] : memref<16x8x128xf32, #tpu.memory_space<vmem>> -> memref<1x8x128xf32, #tpu.memory_space<vmem>>
      %dma_wait3A_361 = tpu.memref_squeeze %dma_wait3A_360 : memref<1x8x128xf32, #tpu.memory_space<vmem>> -> memref<8x128xf32, #tpu.memory_space<vmem>>
      %dma_wait3A_362 = arith.constant 0 : i32
      %dma_wait3A_363 = tpu.memref_slice %arg3[%multiple_of3A_93, %dma_wait3A_362] : memref<100000x128xf32, #tpu.memory_space<hbm>> -> memref<8x128xf32, #tpu.memory_space<hbm>>
      tpu.wait_dma2 semaphore(%arg8 : memref<!tpu.dma_semaphore, #tpu.memory_space<semaphore_mem>>) src(%dma_wait3A_363 : memref<8x128xf32, #tpu.memory_space<hbm>>) dst(%dma_wait3A_361 : memref<8x128xf32, #tpu.memory_space<vmem>>)
      %dma_wait3A_364 = arith.constant 6 : i32
      %dma_wait3A_365 = arith.constant 0 : i32
      %dma_wait3A_366 = arith.constant 0 : i32
      %dma_wait3A_367 = tpu.memref_slice %arg6[%dma_wait3A_364, %dma_wait3A_365, %dma_wait3A_366] : memref<16x8x128xf32, #tpu.memory_space<vmem>> -> memref<1x8x128xf32, #tpu.memory_space<vmem>>
      %dma_wait3A_368 = tpu.memref_squeeze %dma_wait3A_367 : memref<1x8x128xf32, #tpu.memory_space<vmem>> -> memref<8x128xf32, #tpu.memory_space<vmem>>
      %dma_wait3A_369 = arith.constant 0 : i32
      %dma_wait3A_370 = tpu.memref_slice %arg3[%multiple_of3A_111, %dma_wait3A_369] : memref<100000x128xf32, #tpu.memory_space<hbm>> -> memref<8x128xf32, #tpu.memory_space<hbm>>
      %dma_wait3A_371 = arith.constant 0 : i32
      %dma_wait3A_372 = arith.constant 0 : i32
      %dma_wait3A_373 = tpu.memref_slice %arg6[%dma_wait3A_364, %dma_wait3A_371, %dma_wait3A_372] : memref<16x8x128xf32, #tpu.memory_space<vmem>> -> memref<1x8x128xf32, #tpu.memory_space<vmem>>
      %dma_wait3A_374 = tpu.memref_squeeze %dma_wait3A_373 : memref<1x8x128xf32, #tpu.memory_space<vmem>> -> memref<8x128xf32, #tpu.memory_space<vmem>>
      %dma_wait3A_375 = arith.constant 0 : i32
      %dma_wait3A_376 = tpu.memref_slice %arg3[%multiple_of3A_111, %dma_wait3A_375] : memref<100000x128xf32, #tpu.memory_space<hbm>> -> memref<8x128xf32, #tpu.memory_space<hbm>>
      tpu.wait_dma2 semaphore(%arg8 : memref<!tpu.dma_semaphore, #tpu.memory_space<semaphore_mem>>) src(%dma_wait3A_376 : memref<8x128xf32, #tpu.memory_space<hbm>>) dst(%dma_wait3A_374 : memref<8x128xf32, #tpu.memory_space<vmem>>)
      %dma_wait3A_377 = arith.constant 7 : i32
      %dma_wait3A_378 = arith.constant 0 : i32
      %dma_wait3A_379 = arith.constant 0 : i32
      %dma_wait3A_380 = tpu.memref_slice %arg6[%dma_wait3A_377, %dma_wait3A_378, %dma_wait3A_379] : memref<16x8x128xf32, #tpu.memory_space<vmem>> -> memref<1x8x128xf32, #tpu.memory_space<vmem>>
      %dma_wait3A_381 = tpu.memref_squeeze %dma_wait3A_380 : memref<1x8x128xf32, #tpu.memory_space<vmem>> -> memref<8x128xf32, #tpu.memory_space<vmem>>
      %dma_wait3A_382 = arith.constant 0 : i32
      %dma_wait3A_383 = tpu.memref_slice %arg3[%multiple_of3A_129, %dma_wait3A_382] : memref<100000x128xf32, #tpu.memory_space<hbm>> -> memref<8x128xf32, #tpu.memory_space<hbm>>
      %dma_wait3A_384 = arith.constant 0 : i32
      %dma_wait3A_385 = arith.constant 0 : i32
      %dma_wait3A_386 = tpu.memref_slice %arg6[%dma_wait3A_377, %dma_wait3A_384, %dma_wait3A_385] : memref<16x8x128xf32, #tpu.memory_space<vmem>> -> memref<1x8x128xf32, #tpu.memory_space<vmem>>
      %dma_wait3A_387 = tpu.memref_squeeze %dma_wait3A_386 : memref<1x8x128xf32, #tpu.memory_space<vmem>> -> memref<8x128xf32, #tpu.memory_space<vmem>>
      %dma_wait3A_388 = arith.constant 0 : i32
      %dma_wait3A_389 = tpu.memref_slice %arg3[%multiple_of3A_129, %dma_wait3A_388] : memref<100000x128xf32, #tpu.memory_space<hbm>> -> memref<8x128xf32, #tpu.memory_space<hbm>>
      tpu.wait_dma2 semaphore(%arg8 : memref<!tpu.dma_semaphore, #tpu.memory_space<semaphore_mem>>) src(%dma_wait3A_389 : memref<8x128xf32, #tpu.memory_space<hbm>>) dst(%dma_wait3A_387 : memref<8x128xf32, #tpu.memory_space<vmem>>)
      %dma_wait3A_390 = arith.constant 8 : i32
      %dma_wait3A_391 = arith.constant 0 : i32
      %dma_wait3A_392 = arith.constant 0 : i32
      %dma_wait3A_393 = tpu.memref_slice %arg6[%dma_wait3A_390, %dma_wait3A_391, %dma_wait3A_392] : memref<16x8x128xf32, #tpu.memory_space<vmem>> -> memref<1x8x128xf32, #tpu.memory_space<vmem>>
      %dma_wait3A_394 = tpu.memref_squeeze %dma_wait3A_393 : memref<1x8x128xf32, #tpu.memory_space<vmem>> -> memref<8x128xf32, #tpu.memory_space<vmem>>
      %dma_wait3A_395 = arith.constant 0 : i32
      %dma_wait3A_396 = tpu.memref_slice %arg3[%multiple_of3A_147, %dma_wait3A_395] : memref<100000x128xf32, #tpu.memory_space<hbm>> -> memref<8x128xf32, #tpu.memory_space<hbm>>
      %dma_wait3A_397 = arith.constant 0 : i32
      %dma_wait3A_398 = arith.constant 0 : i32
      %dma_wait3A_399 = tpu.memref_slice %arg6[%dma_wait3A_390, %dma_wait3A_397, %dma_wait3A_398] : memref<16x8x128xf32, #tpu.memory_space<vmem>> -> memref<1x8x128xf32, #tpu.memory_space<vmem>>
      %dma_wait3A_400 = tpu.memref_squeeze %dma_wait3A_399 : memref<1x8x128xf32, #tpu.memory_space<vmem>> -> memref<8x128xf32, #tpu.memory_space<vmem>>
      %dma_wait3A_401 = arith.constant 0 : i32
      %dma_wait3A_402 = tpu.memref_slice %arg3[%multiple_of3A_147, %dma_wait3A_401] : memref<100000x128xf32, #tpu.memory_space<hbm>> -> memref<8x128xf32, #tpu.memory_space<hbm>>
      tpu.wait_dma2 semaphore(%arg8 : memref<!tpu.dma_semaphore, #tpu.memory_space<semaphore_mem>>) src(%dma_wait3A_402 : memref<8x128xf32, #tpu.memory_space<hbm>>) dst(%dma_wait3A_400 : memref<8x128xf32, #tpu.memory_space<vmem>>)
      %dma_wait3A_403 = arith.constant 9 : i32
      %dma_wait3A_404 = arith.constant 0 : i32
      %dma_wait3A_405 = arith.constant 0 : i32
      %dma_wait3A_406 = tpu.memref_slice %arg6[%dma_wait3A_403, %dma_wait3A_404, %dma_wait3A_405] : memref<16x8x128xf32, #tpu.memory_space<vmem>> -> memref<1x8x128xf32, #tpu.memory_space<vmem>>
      %dma_wait3A_407 = tpu.memref_squeeze %dma_wait3A_406 : memref<1x8x128xf32, #tpu.memory_space<vmem>> -> memref<8x128xf32, #tpu.memory_space<vmem>>
      %dma_wait3A_408 = arith.constant 0 : i32
      %dma_wait3A_409 = tpu.memref_slice %arg3[%multiple_of3A_165, %dma_wait3A_408] : memref<100000x128xf32, #tpu.memory_space<hbm>> -> memref<8x128xf32, #tpu.memory_space<hbm>>
      %dma_wait3A_410 = arith.constant 0 : i32
      %dma_wait3A_411 = arith.constant 0 : i32
      %dma_wait3A_412 = tpu.memref_slice %arg6[%dma_wait3A_403, %dma_wait3A_410, %dma_wait3A_411] : memref<16x8x128xf32, #tpu.memory_space<vmem>> -> memref<1x8x128xf32, #tpu.memory_space<vmem>>
      %dma_wait3A_413 = tpu.memref_squeeze %dma_wait3A_412 : memref<1x8x128xf32, #tpu.memory_space<vmem>> -> memref<8x128xf32, #tpu.memory_space<vmem>>
      %dma_wait3A_414 = arith.constant 0 : i32
      %dma_wait3A_415 = tpu.memref_slice %arg3[%multiple_of3A_165, %dma_wait3A_414] : memref<100000x128xf32, #tpu.memory_space<hbm>> -> memref<8x128xf32, #tpu.memory_space<hbm>>
      tpu.wait_dma2 semaphore(%arg8 : memref<!tpu.dma_semaphore, #tpu.memory_space<semaphore_mem>>) src(%dma_wait3A_415 : memref<8x128xf32, #tpu.memory_space<hbm>>) dst(%dma_wait3A_413 : memref<8x128xf32, #tpu.memory_space<vmem>>)
      %dma_wait3A_416 = arith.constant 10 : i32
      %dma_wait3A_417 = arith.constant 0 : i32
      %dma_wait3A_418 = arith.constant 0 : i32
      %dma_wait3A_419 = tpu.memref_slice %arg6[%dma_wait3A_416, %dma_wait3A_417, %dma_wait3A_418] : memref<16x8x128xf32, #tpu.memory_space<vmem>> -> memref<1x8x128xf32, #tpu.memory_space<vmem>>
      %dma_wait3A_420 = tpu.memref_squeeze %dma_wait3A_419 : memref<1x8x128xf32, #tpu.memory_space<vmem>> -> memref<8x128xf32, #tpu.memory_space<vmem>>
      %dma_wait3A_421 = arith.constant 0 : i32
      %dma_wait3A_422 = tpu.memref_slice %arg3[%multiple_of3A_183, %dma_wait3A_421] : memref<100000x128xf32, #tpu.memory_space<hbm>> -> memref<8x128xf32, #tpu.memory_space<hbm>>
      %dma_wait3A_423 = arith.constant 0 : i32
      %dma_wait3A_424 = arith.constant 0 : i32
      %dma_wait3A_425 = tpu.memref_slice %arg6[%dma_wait3A_416, %dma_wait3A_423, %dma_wait3A_424] : memref<16x8x128xf32, #tpu.memory_space<vmem>> -> memref<1x8x128xf32, #tpu.memory_space<vmem>>
      %dma_wait3A_426 = tpu.memref_squeeze %dma_wait3A_425 : memref<1x8x128xf32, #tpu.memory_space<vmem>> -> memref<8x128xf32, #tpu.memory_space<vmem>>
      %dma_wait3A_427 = arith.constant 0 : i32
      %dma_wait3A_428 = tpu.memref_slice %arg3[%multiple_of3A_183, %dma_wait3A_427] : memref<100000x128xf32, #tpu.memory_space<hbm>> -> memref<8x128xf32, #tpu.memory_space<hbm>>
      tpu.wait_dma2 semaphore(%arg8 : memref<!tpu.dma_semaphore, #tpu.memory_space<semaphore_mem>>) src(%dma_wait3A_428 : memref<8x128xf32, #tpu.memory_space<hbm>>) dst(%dma_wait3A_426 : memref<8x128xf32, #tpu.memory_space<vmem>>)
      %dma_wait3A_429 = arith.constant 11 : i32
      %dma_wait3A_430 = arith.constant 0 : i32
      %dma_wait3A_431 = arith.constant 0 : i32
      %dma_wait3A_432 = tpu.memref_slice %arg6[%dma_wait3A_429, %dma_wait3A_430, %dma_wait3A_431] : memref<16x8x128xf32, #tpu.memory_space<vmem>> -> memref<1x8x128xf32, #tpu.memory_space<vmem>>
      %dma_wait3A_433 = tpu.memref_squeeze %dma_wait3A_432 : memref<1x8x128xf32, #tpu.memory_space<vmem>> -> memref<8x128xf32, #tpu.memory_space<vmem>>
      %dma_wait3A_434 = arith.constant 0 : i32
      %dma_wait3A_435 = tpu.memref_slice %arg3[%multiple_of3A_201, %dma_wait3A_434] : memref<100000x128xf32, #tpu.memory_space<hbm>> -> memref<8x128xf32, #tpu.memory_space<hbm>>
      %dma_wait3A_436 = arith.constant 0 : i32
      %dma_wait3A_437 = arith.constant 0 : i32
      %dma_wait3A_438 = tpu.memref_slice %arg6[%dma_wait3A_429, %dma_wait3A_436, %dma_wait3A_437] : memref<16x8x128xf32, #tpu.memory_space<vmem>> -> memref<1x8x128xf32, #tpu.memory_space<vmem>>
      %dma_wait3A_439 = tpu.memref_squeeze %dma_wait3A_438 : memref<1x8x128xf32, #tpu.memory_space<vmem>> -> memref<8x128xf32, #tpu.memory_space<vmem>>
      %dma_wait3A_440 = arith.constant 0 : i32
      %dma_wait3A_441 = tpu.memref_slice %arg3[%multiple_of3A_201, %dma_wait3A_440] : memref<100000x128xf32, #tpu.memory_space<hbm>> -> memref<8x128xf32, #tpu.memory_space<hbm>>
      tpu.wait_dma2 semaphore(%arg8 : memref<!tpu.dma_semaphore, #tpu.memory_space<semaphore_mem>>) src(%dma_wait3A_441 : memref<8x128xf32, #tpu.memory_space<hbm>>) dst(%dma_wait3A_439 : memref<8x128xf32, #tpu.memory_space<vmem>>)
      %dma_wait3A_442 = arith.constant 12 : i32
      %dma_wait3A_443 = arith.constant 0 : i32
      %dma_wait3A_444 = arith.constant 0 : i32
      %dma_wait3A_445 = tpu.memref_slice %arg6[%dma_wait3A_442, %dma_wait3A_443, %dma_wait3A_444] : memref<16x8x128xf32, #tpu.memory_space<vmem>> -> memref<1x8x128xf32, #tpu.memory_space<vmem>>
      %dma_wait3A_446 = tpu.memref_squeeze %dma_wait3A_445 : memref<1x8x128xf32, #tpu.memory_space<vmem>> -> memref<8x128xf32, #tpu.memory_space<vmem>>
      %dma_wait3A_447 = arith.constant 0 : i32
      %dma_wait3A_448 = tpu.memref_slice %arg3[%multiple_of3A_219, %dma_wait3A_447] : memref<100000x128xf32, #tpu.memory_space<hbm>> -> memref<8x128xf32, #tpu.memory_space<hbm>>
      %dma_wait3A_449 = arith.constant 0 : i32
      %dma_wait3A_450 = arith.constant 0 : i32
      %dma_wait3A_451 = tpu.memref_slice %arg6[%dma_wait3A_442, %dma_wait3A_449, %dma_wait3A_450] : memref<16x8x128xf32, #tpu.memory_space<vmem>> -> memref<1x8x128xf32, #tpu.memory_space<vmem>>
      %dma_wait3A_452 = tpu.memref_squeeze %dma_wait3A_451 : memref<1x8x128xf32, #tpu.memory_space<vmem>> -> memref<8x128xf32, #tpu.memory_space<vmem>>
      %dma_wait3A_453 = arith.constant 0 : i32
      %dma_wait3A_454 = tpu.memref_slice %arg3[%multiple_of3A_219, %dma_wait3A_453] : memref<100000x128xf32, #tpu.memory_space<hbm>> -> memref<8x128xf32, #tpu.memory_space<hbm>>
      tpu.wait_dma2 semaphore(%arg8 : memref<!tpu.dma_semaphore, #tpu.memory_space<semaphore_mem>>) src(%dma_wait3A_454 : memref<8x128xf32, #tpu.memory_space<hbm>>) dst(%dma_wait3A_452 : memref<8x128xf32, #tpu.memory_space<vmem>>)
      %dma_wait3A_455 = arith.constant 13 : i32
      %dma_wait3A_456 = arith.constant 0 : i32
      %dma_wait3A_457 = arith.constant 0 : i32
      %dma_wait3A_458 = tpu.memref_slice %arg6[%dma_wait3A_455, %dma_wait3A_456, %dma_wait3A_457] : memref<16x8x128xf32, #tpu.memory_space<vmem>> -> memref<1x8x128xf32, #tpu.memory_space<vmem>>
      %dma_wait3A_459 = tpu.memref_squeeze %dma_wait3A_458 : memref<1x8x128xf32, #tpu.memory_space<vmem>> -> memref<8x128xf32, #tpu.memory_space<vmem>>
      %dma_wait3A_460 = arith.constant 0 : i32
      %dma_wait3A_461 = tpu.memref_slice %arg3[%multiple_of3A_237, %dma_wait3A_460] : memref<100000x128xf32, #tpu.memory_space<hbm>> -> memref<8x128xf32, #tpu.memory_space<hbm>>
      %dma_wait3A_462 = arith.constant 0 : i32
      %dma_wait3A_463 = arith.constant 0 : i32
      %dma_wait3A_464 = tpu.memref_slice %arg6[%dma_wait3A_455, %dma_wait3A_462, %dma_wait3A_463] : memref<16x8x128xf32, #tpu.memory_space<vmem>> -> memref<1x8x128xf32, #tpu.memory_space<vmem>>
      %dma_wait3A_465 = tpu.memref_squeeze %dma_wait3A_464 : memref<1x8x128xf32, #tpu.memory_space<vmem>> -> memref<8x128xf32, #tpu.memory_space<vmem>>
      %dma_wait3A_466 = arith.constant 0 : i32
      %dma_wait3A_467 = tpu.memref_slice %arg3[%multiple_of3A_237, %dma_wait3A_466] : memref<100000x128xf32, #tpu.memory_space<hbm>> -> memref<8x128xf32, #tpu.memory_space<hbm>>
      tpu.wait_dma2 semaphore(%arg8 : memref<!tpu.dma_semaphore, #tpu.memory_space<semaphore_mem>>) src(%dma_wait3A_467 : memref<8x128xf32, #tpu.memory_space<hbm>>) dst(%dma_wait3A_465 : memref<8x128xf32, #tpu.memory_space<vmem>>)
      %dma_wait3A_468 = arith.constant 14 : i32
      %dma_wait3A_469 = arith.constant 0 : i32
      %dma_wait3A_470 = arith.constant 0 : i32
      %dma_wait3A_471 = tpu.memref_slice %arg6[%dma_wait3A_468, %dma_wait3A_469, %dma_wait3A_470] : memref<16x8x128xf32, #tpu.memory_space<vmem>> -> memref<1x8x128xf32, #tpu.memory_space<vmem>>
      %dma_wait3A_472 = tpu.memref_squeeze %dma_wait3A_471 : memref<1x8x128xf32, #tpu.memory_space<vmem>> -> memref<8x128xf32, #tpu.memory_space<vmem>>
      %dma_wait3A_473 = arith.constant 0 : i32
      %dma_wait3A_474 = tpu.memref_slice %arg3[%multiple_of3A_255, %dma_wait3A_473] : memref<100000x128xf32, #tpu.memory_space<hbm>> -> memref<8x128xf32, #tpu.memory_space<hbm>>
      %dma_wait3A_475 = arith.constant 0 : i32
      %dma_wait3A_476 = arith.constant 0 : i32
      %dma_wait3A_477 = tpu.memref_slice %arg6[%dma_wait3A_468, %dma_wait3A_475, %dma_wait3A_476] : memref<16x8x128xf32, #tpu.memory_space<vmem>> -> memref<1x8x128xf32, #tpu.memory_space<vmem>>
      %dma_wait3A_478 = tpu.memref_squeeze %dma_wait3A_477 : memref<1x8x128xf32, #tpu.memory_space<vmem>> -> memref<8x128xf32, #tpu.memory_space<vmem>>
      %dma_wait3A_479 = arith.constant 0 : i32
      %dma_wait3A_480 = tpu.memref_slice %arg3[%multiple_of3A_255, %dma_wait3A_479] : memref<100000x128xf32, #tpu.memory_space<hbm>> -> memref<8x128xf32, #tpu.memory_space<hbm>>
      tpu.wait_dma2 semaphore(%arg8 : memref<!tpu.dma_semaphore, #tpu.memory_space<semaphore_mem>>) src(%dma_wait3A_480 : memref<8x128xf32, #tpu.memory_space<hbm>>) dst(%dma_wait3A_478 : memref<8x128xf32, #tpu.memory_space<vmem>>)
      %dma_wait3A_481 = arith.constant 15 : i32
      %dma_wait3A_482 = arith.constant 0 : i32
      %dma_wait3A_483 = arith.constant 0 : i32
      %dma_wait3A_484 = tpu.memref_slice %arg6[%dma_wait3A_481, %dma_wait3A_482, %dma_wait3A_483] : memref<16x8x128xf32, #tpu.memory_space<vmem>> -> memref<1x8x128xf32, #tpu.memory_space<vmem>>
      %dma_wait3A_485 = tpu.memref_squeeze %dma_wait3A_484 : memref<1x8x128xf32, #tpu.memory_space<vmem>> -> memref<8x128xf32, #tpu.memory_space<vmem>>
      %dma_wait3A_486 = arith.constant 0 : i32
      %dma_wait3A_487 = tpu.memref_slice %arg3[%multiple_of3A_273, %dma_wait3A_486] : memref<100000x128xf32, #tpu.memory_space<hbm>> -> memref<8x128xf32, #tpu.memory_space<hbm>>
      %dma_wait3A_488 = arith.constant 0 : i32
      %dma_wait3A_489 = arith.constant 0 : i32
      %dma_wait3A_490 = tpu.memref_slice %arg6[%dma_wait3A_481, %dma_wait3A_488, %dma_wait3A_489] : memref<16x8x128xf32, #tpu.memory_space<vmem>> -> memref<1x8x128xf32, #tpu.memory_space<vmem>>
      %dma_wait3A_491 = tpu.memref_squeeze %dma_wait3A_490 : memref<1x8x128xf32, #tpu.memory_space<vmem>> -> memref<8x128xf32, #tpu.memory_space<vmem>>
      %dma_wait3A_492 = arith.constant 0 : i32
      %dma_wait3A_493 = tpu.memref_slice %arg3[%multiple_of3A_273, %dma_wait3A_492] : memref<100000x128xf32, #tpu.memory_space<hbm>> -> memref<8x128xf32, #tpu.memory_space<hbm>>
      tpu.wait_dma2 semaphore(%arg8 : memref<!tpu.dma_semaphore, #tpu.memory_space<semaphore_mem>>) src(%dma_wait3A_493 : memref<8x128xf32, #tpu.memory_space<hbm>>) dst(%dma_wait3A_491 : memref<8x128xf32, #tpu.memory_space<vmem>>)
      %and3A_494 = arith.constant 7 : i32
      %and3A_495 = vector.broadcast %and3A_494 : i32 to vector<16xi32>
      %and3A_496 = arith.andi %get3A_3, %and3A_495 : vector<16xi32>
      %iota3A = tpu.iota {dimensions = array<i32: 0>} : vector<16xi32>
      %add3A = vector.broadcast %mul3A_2 : i32 to vector<16xi32>
      %add3A_497 = arith.addi %iota3A, %add3A : vector<16xi32>
      %iota3A_498 = tpu.iota {dimensions = array<i32: 0>} : vector<16xi32>
      %gather3A = tpu.vector_load_idx %arg6[%iota3A_498, %and3A_496, %add3A_497] : memref<16x8x128xf32, #tpu.memory_space<vmem>>[vector<16xi32>, vector<16xi32>, vector<16xi32>], vector<16xf32>,
      %swap3A = arith.constant 0 : index
      %swap3A_499 = tpu.vector_load %arg7[%swap3A] {strides = array<i32>} : memref<16xf32, #tpu.memory_space<vmem>>, vector<16xf32>,
      tpu.vector_store %arg7[%swap3A], %gather3A {strides = array<i32>} : memref<16xf32, #tpu.memory_space<vmem>>, vector<16xf32>,
      "tpu.region"() ({
        %run_scoped3A = tpu.sem_alloc : memref<!tpu.dma_semaphore, #tpu.memory_space<semaphore_mem>>
        %dma_start3A_500 = tpu.memref_slice %arg4[%mul3A_2] : memref<128xf32, #tpu.memory_space<hbm>> -> memref<16xf32, #tpu.memory_space<hbm>>
        %dma_start3A_501 = tpu.memref_slice %arg4[%mul3A_2] : memref<128xf32, #tpu.memory_space<hbm>> -> memref<16xf32, #tpu.memory_space<hbm>>
        tpu.enqueue_dma source(%arg7 : memref<16xf32, #tpu.memory_space<vmem>>) target(%dma_start3A_501 : memref<16xf32, #tpu.memory_space<hbm>>) target_semaphore(%run_scoped3A : memref<!tpu.dma_semaphore, #tpu.memory_space<semaphore_mem>>)
        %dma_wait3A_502 = tpu.memref_slice %arg4[%mul3A_2] : memref<128xf32, #tpu.memory_space<hbm>> -> memref<16xf32, #tpu.memory_space<hbm>>
        %dma_wait3A_503 = tpu.memref_slice %arg4[%mul3A_2] : memref<128xf32, #tpu.memory_space<hbm>> -> memref<16xf32, #tpu.memory_space<hbm>>
        tpu.wait_dma2 semaphore(%run_scoped3A : memref<!tpu.dma_semaphore, #tpu.memory_space<semaphore_mem>>) src(%arg7 : memref<16xf32, #tpu.memory_space<vmem>>) dst(%dma_wait3A_503 : memref<16xf32, #tpu.memory_space<hbm>>)
        tpu.yield
      }) : () -> ()
    } else {
    }
    return
  }
}

module attributes {stable_mosaic.version = 14 : i64} {
  func.func @_tc_body(%arg0: i32, %arg1: memref<20000x128xf32, #tpu.memory_space<vmem>>, %arg2: memref<1x128xf32, #tpu.memory_space<vmem>>, %arg3: memref<1x128xf32, #tpu.memory_space<vmem>>, %arg4: memref<1x128xf32, #tpu.memory_space<vmem>>, %arg5: memref<1x128xf32, #tpu.memory_space<vmem>>) attributes {dimension_semantics = [#tpu.dimension_semantics<arbitrary>], iteration_bounds = array<i64: 5>, scalar_prefetch = 0 : i64, scratch_operands = 2 : i64, tpu.core_type = #tpu.core_type<tc>, window_params = [{transform_indices = @transform_0, window_bounds = array<i64: 20000, 128>}, {pipeline_mode = #tpu.pipeline_mode<synchronous>, transform_indices = @transform_1, window_bounds = array<i64: 1, 128>}, {pipeline_mode = #tpu.pipeline_mode<synchronous>, transform_indices = @transform_2, window_bounds = array<i64: 1, 128>}]} {
    %eq3A = arith.constant 0 : i32
    %eq3A_0 = arith.cmpi eq, %arg0, %eq3A : i32
    %convert_element_type3A = arith.extui %eq3A_0 : i1 to i32
    %cond3A = arith.constant 0 : i32
    %cond3A_1 = arith.cmpi ne, %convert_element_type3A, %cond3A : i32
    scf.if %cond3A_1 {
      %broadcast_in_dim3A_75 = arith.constant 0.000000e+00 : f32
      %broadcast_in_dim3A_76 = vector.broadcast %broadcast_in_dim3A_75 : f32 to vector<1x128xf32>
      %swap3A_77 = arith.constant 0 : index
      %swap3A_78 = arith.constant 0 : index
      %swap3A_79 = vector.load %arg4[%swap3A_77, %swap3A_78] : memref<1x128xf32, #tpu.memory_space<vmem>>, vector<1x128xf32>
      tpu.vector_store %arg4[%swap3A_77, %swap3A_78], %broadcast_in_dim3A_76 {strides = array<i32>} : memref<1x128xf32, #tpu.memory_space<vmem>>, vector<1x128xf32>,
      %broadcast_in_dim3A_80 = arith.constant 0.000000e+00 : f32
      %broadcast_in_dim3A_81 = vector.broadcast %broadcast_in_dim3A_80 : f32 to vector<1x128xf32>
      %swap3A_82 = arith.constant 0 : index
      %swap3A_83 = arith.constant 0 : index
      %swap3A_84 = vector.load %arg5[%swap3A_82, %swap3A_83] : memref<1x128xf32, #tpu.memory_space<vmem>>, vector<1x128xf32>
      tpu.vector_store %arg5[%swap3A_82, %swap3A_83], %broadcast_in_dim3A_81 {strides = array<i32>} : memref<1x128xf32, #tpu.memory_space<vmem>>, vector<1x128xf32>,
    } else {
    }
    %get3A = arith.constant 0 : index
    %get3A_2 = arith.constant 0 : index
    %get3A_3 = vector.load %arg1[%get3A, %get3A_2] : memref<20000x128xf32, #tpu.memory_space<vmem>>, vector<20000x128xf32>
    %slice3A = vector.extract_strided_slice %get3A_3 {offsets = [0, 0], sizes = [4000, 128], strides = [1, 1]} : vector<20000x128xf32> to vector<4000x128xf32>
    %exp3A = math.exp %slice3A : vector<4000x128xf32>
    %reduce_sum3A = arith.constant dense<0.000000e+00> : vector<128xf32>
    %reduce_sum3A_4 = vector.multi_reduction <add>, %exp3A, %reduce_sum3A [0] : vector<4000x128xf32> to vector<128xf32>
    %broadcast_in_dim3A = vector.shape_cast %reduce_sum3A_4 : vector<128xf32> to vector<1x128xf32>
    %mul3A = arith.mulf %slice3A, %exp3A : vector<4000x128xf32>
    %reduce_sum3A_5 = arith.constant dense<0.000000e+00> : vector<128xf32>
    %reduce_sum3A_6 = vector.multi_reduction <add>, %mul3A, %reduce_sum3A_5 [0] : vector<4000x128xf32> to vector<128xf32>
    %broadcast_in_dim3A_7 = vector.shape_cast %reduce_sum3A_6 : vector<128xf32> to vector<1x128xf32>
    %slice3A_8 = vector.extract_strided_slice %get3A_3 {offsets = [4000, 0], sizes = [4000, 128], strides = [1, 1]} : vector<20000x128xf32> to vector<4000x128xf32>
    %exp3A_9 = math.exp %slice3A_8 : vector<4000x128xf32>
    %reduce_sum3A_10 = arith.constant dense<0.000000e+00> : vector<128xf32>
    %reduce_sum3A_11 = vector.multi_reduction <add>, %exp3A_9, %reduce_sum3A_10 [0] : vector<4000x128xf32> to vector<128xf32>
    %broadcast_in_dim3A_12 = vector.shape_cast %reduce_sum3A_11 : vector<128xf32> to vector<1x128xf32>
    %mul3A_13 = arith.mulf %slice3A_8, %exp3A_9 : vector<4000x128xf32>
    %reduce_sum3A_14 = arith.constant dense<0.000000e+00> : vector<128xf32>
    %reduce_sum3A_15 = vector.multi_reduction <add>, %mul3A_13, %reduce_sum3A_14 [0] : vector<4000x128xf32> to vector<128xf32>
    %broadcast_in_dim3A_16 = vector.shape_cast %reduce_sum3A_15 : vector<128xf32> to vector<1x128xf32>
    %slice3A_17 = vector.extract_strided_slice %get3A_3 {offsets = [8000, 0], sizes = [4000, 128], strides = [1, 1]} : vector<20000x128xf32> to vector<4000x128xf32>
    %exp3A_18 = math.exp %slice3A_17 : vector<4000x128xf32>
    %reduce_sum3A_19 = arith.constant dense<0.000000e+00> : vector<128xf32>
    %reduce_sum3A_20 = vector.multi_reduction <add>, %exp3A_18, %reduce_sum3A_19 [0] : vector<4000x128xf32> to vector<128xf32>
    %broadcast_in_dim3A_21 = vector.shape_cast %reduce_sum3A_20 : vector<128xf32> to vector<1x128xf32>
    %mul3A_22 = arith.mulf %slice3A_17, %exp3A_18 : vector<4000x128xf32>
    %reduce_sum3A_23 = arith.constant dense<0.000000e+00> : vector<128xf32>
    %reduce_sum3A_24 = vector.multi_reduction <add>, %mul3A_22, %reduce_sum3A_23 [0] : vector<4000x128xf32> to vector<128xf32>
    %broadcast_in_dim3A_25 = vector.shape_cast %reduce_sum3A_24 : vector<128xf32> to vector<1x128xf32>
    %slice3A_26 = vector.extract_strided_slice %get3A_3 {offsets = [12000, 0], sizes = [4000, 128], strides = [1, 1]} : vector<20000x128xf32> to vector<4000x128xf32>
    %exp3A_27 = math.exp %slice3A_26 : vector<4000x128xf32>
    %reduce_sum3A_28 = arith.constant dense<0.000000e+00> : vector<128xf32>
    %reduce_sum3A_29 = vector.multi_reduction <add>, %exp3A_27, %reduce_sum3A_28 [0] : vector<4000x128xf32> to vector<128xf32>
    %broadcast_in_dim3A_30 = vector.shape_cast %reduce_sum3A_29 : vector<128xf32> to vector<1x128xf32>
    %mul3A_31 = arith.mulf %slice3A_26, %exp3A_27 : vector<4000x128xf32>
    %reduce_sum3A_32 = arith.constant dense<0.000000e+00> : vector<128xf32>
    %reduce_sum3A_33 = vector.multi_reduction <add>, %mul3A_31, %reduce_sum3A_32 [0] : vector<4000x128xf32> to vector<128xf32>
    %broadcast_in_dim3A_34 = vector.shape_cast %reduce_sum3A_33 : vector<128xf32> to vector<1x128xf32>
    %slice3A_35 = vector.extract_strided_slice %get3A_3 {offsets = [16000, 0], sizes = [4000, 128], strides = [1, 1]} : vector<20000x128xf32> to vector<4000x128xf32>
    %exp3A_36 = math.exp %slice3A_35 : vector<4000x128xf32>
    %reduce_sum3A_37 = arith.constant dense<0.000000e+00> : vector<128xf32>
    %reduce_sum3A_38 = vector.multi_reduction <add>, %exp3A_36, %reduce_sum3A_37 [0] : vector<4000x128xf32> to vector<128xf32>
    %broadcast_in_dim3A_39 = vector.shape_cast %reduce_sum3A_38 : vector<128xf32> to vector<1x128xf32>
    %mul3A_40 = arith.mulf %slice3A_35, %exp3A_36 : vector<4000x128xf32>
    %reduce_sum3A_41 = arith.constant dense<0.000000e+00> : vector<128xf32>
    %reduce_sum3A_42 = vector.multi_reduction <add>, %mul3A_40, %reduce_sum3A_41 [0] : vector<4000x128xf32> to vector<128xf32>
    %broadcast_in_dim3A_43 = vector.shape_cast %reduce_sum3A_42 : vector<128xf32> to vector<1x128xf32>
    %get3A_44 = arith.constant 0 : index
    %get3A_45 = arith.constant 0 : index
    %get3A_46 = vector.load %arg4[%get3A_44, %get3A_45] : memref<1x128xf32, #tpu.memory_space<vmem>>, vector<1x128xf32>
    %add3A = arith.constant 0.000000e+00 : f32
    %add3A_47 = vector.broadcast %add3A : f32 to vector<1x128xf32>
    %add3A_48 = arith.addf %add3A_47, %broadcast_in_dim3A : vector<1x128xf32>
    %add3A_49 = arith.addf %add3A_48, %broadcast_in_dim3A_12 : vector<1x128xf32>
    %add3A_50 = arith.addf %add3A_49, %broadcast_in_dim3A_21 : vector<1x128xf32>
    %add3A_51 = arith.addf %add3A_50, %broadcast_in_dim3A_30 : vector<1x128xf32>
    %add3A_52 = arith.addf %add3A_51, %broadcast_in_dim3A_39 : vector<1x128xf32>
    %add3A_53 = arith.addf %get3A_46, %add3A_52 : vector<1x128xf32>
    %swap3A = arith.constant 0 : index
    %swap3A_54 = arith.constant 0 : index
    %swap3A_55 = vector.load %arg4[%swap3A, %swap3A_54] : memref<1x128xf32, #tpu.memory_space<vmem>>, vector<1x128xf32>
    tpu.vector_store %arg4[%swap3A, %swap3A_54], %add3A_53 {strides = array<i32>} : memref<1x128xf32, #tpu.memory_space<vmem>>, vector<1x128xf32>,
    %get3A_56 = arith.constant 0 : index
    %get3A_57 = arith.constant 0 : index
    %get3A_58 = vector.load %arg5[%get3A_56, %get3A_57] : memref<1x128xf32, #tpu.memory_space<vmem>>, vector<1x128xf32>
    %add3A_59 = arith.constant 0.000000e+00 : f32
    %add3A_60 = vector.broadcast %add3A_59 : f32 to vector<1x128xf32>
    %add3A_61 = arith.addf %add3A_60, %broadcast_in_dim3A_7 : vector<1x128xf32>
    %add3A_62 = arith.addf %add3A_61, %broadcast_in_dim3A_16 : vector<1x128xf32>
    %add3A_63 = arith.addf %add3A_62, %broadcast_in_dim3A_25 : vector<1x128xf32>
    %add3A_64 = arith.addf %add3A_63, %broadcast_in_dim3A_34 : vector<1x128xf32>
    %add3A_65 = arith.addf %add3A_64, %broadcast_in_dim3A_43 : vector<1x128xf32>
    %add3A_66 = arith.addf %get3A_58, %add3A_65 : vector<1x128xf32>
    %swap3A_67 = arith.constant 0 : index
    %swap3A_68 = arith.constant 0 : index
    %swap3A_69 = vector.load %arg5[%swap3A_67, %swap3A_68] : memref<1x128xf32, #tpu.memory_space<vmem>>, vector<1x128xf32>
    tpu.vector_store %arg5[%swap3A_67, %swap3A_68], %add3A_66 {strides = array<i32>} : memref<1x128xf32, #tpu.memory_space<vmem>>, vector<1x128xf32>,
    %eq3A_70 = arith.constant 4 : i32
    %eq3A_71 = arith.cmpi eq, %arg0, %eq3A_70 : i32
    %convert_element_type3A_72 = arith.extui %eq3A_71 : i1 to i32
    %cond3A_73 = arith.constant 0 : i32
    %cond3A_74 = arith.cmpi ne, %convert_element_type3A_72, %cond3A_73 : i32
    scf.if %cond3A_74 {
      %get3A_75 = arith.constant 0 : index
      %get3A_76 = arith.constant 0 : index
      %get3A_77 = vector.load %arg4[%get3A_75, %get3A_76] : memref<1x128xf32, #tpu.memory_space<vmem>>, vector<1x128xf32>
      %log3A = math.log %get3A_77 : vector<1x128xf32>
      %swap3A_78 = arith.constant 0 : index
      %swap3A_79 = arith.constant 0 : index
      %swap3A_80 = vector.load %arg2[%swap3A_78, %swap3A_79] : memref<1x128xf32, #tpu.memory_space<vmem>>, vector<1x128xf32>
      tpu.vector_store %arg2[%swap3A_78, %swap3A_79], %log3A {strides = array<i32>} : memref<1x128xf32, #tpu.memory_space<vmem>>, vector<1x128xf32>,
      %get3A_81 = arith.constant 0 : index
      %get3A_82 = arith.constant 0 : index
      %get3A_83 = vector.load %arg5[%get3A_81, %get3A_82] : memref<1x128xf32, #tpu.memory_space<vmem>>, vector<1x128xf32>
      %div3A = arith.divf %get3A_83, %get3A_77 : vector<1x128xf32>
      %sub3A = arith.subf %log3A, %div3A : vector<1x128xf32>
      %swap3A_84 = arith.constant 0 : index
      %swap3A_85 = arith.constant 0 : index
      %swap3A_86 = vector.load %arg3[%swap3A_84, %swap3A_85] : memref<1x128xf32, #tpu.memory_space<vmem>>, vector<1x128xf32>
      tpu.vector_store %arg3[%swap3A_84, %swap3A_85], %sub3A {strides = array<i32>} : memref<1x128xf32, #tpu.memory_space<vmem>>, vector<1x128xf32>,
    } else {
    }
    return
  }
  func.func @transform_0(%arg0: i32) -> (i32, i32) {
    %c0_i32 = arith.constant 0 : i32
    %c0_i32_0 = arith.constant 0 : i32
    return %arg0, %c0_i32 : i32, i32
  }
  func.func @transform_1(%arg0: i32) -> (i32, i32) {
    %c0_i32 = arith.constant 0 : i32
    %c0_i32_0 = arith.constant 0 : i32
    %c0_i32_1 = arith.constant 0 : i32
    return %c0_i32, %c0_i32_0 : i32, i32
  }
  func.func @transform_2(%arg0: i32) -> (i32, i32) {
    %c0_i32 = arith.constant 0 : i32
    %c0_i32_0 = arith.constant 0 : i32
    %c0_i32_1 = arith.constant 0 : i32
    return %c0_i32, %c0_i32_0 : i32, i32
  }
}

</mosaic_0001>

<sc_bundles>
// kernel: kernel.4.cloned.1.call-start
scs
__scs_entry_jumppad:
0x0: {  	(pc) =	sbr.rel $0x88, $3  }
0x1: {  	(tag) =	ssettag $0x0;
	lr =	simm.s32 $0x1  }
0x2: {  	[smem:$0x3F9F] =	sst lr;
	_ =	strace $0xD0000000  }
0x3: {  	_ = 	snop  }
0x4: {  	_ = 	snop  }
0x5: {  	_ = 	snop  }
0x6: {  	_ = 	snop  }
0x7: {  	_ = 	snop  }
__scs_overlays_trampoline_lowered:
0x8: {  	[smem:$0x3FAE] =	sst s0  }
0x9: {  	[smem:$0x3FAF] =	sst s1  }
0xa: {  	[smem:$0x3FB0] =	sst s2  }
0xb: {  	[smem:$0x3FB1] =	sst s3  }
0xc: {  	[smem:$0x3FB2] =	sst s4  }
0xd: {  	[smem:$0x3FB3] =	sst s5  }
0xe: {  	[smem:$0x3FB4] =	sst s6  }
0xf: {  	[smem:$0x3FB5] =	sst s7  }
0x10: {  	[smem:$0x3FB6] =	sst s8  }
0x11: {  	[smem:$0x3FB7] =	sst s9;
	s0 =	simm.s32 @!p0 $0x0  }
0x12: {  	s1 =	sld [smem:$0x3F9D];
	s0 =	simm.s32 @p0 $0x1  }
0x13: {  	[smem:$0x3FB8] =	sst s0;
	s0 =	simm.s32 @!p1 $0x0  }
0x14: {  	s2 =	sld [smem:$0x3F9C];
	s0 =	simm.s32 @p1 $0x1  }
0x15: {  	[smem:$0x3FB9] =	sst s0;
	s0 =	simm.s32 @!p2 $0x0  }
0x16: {  	s3 =	sld [smem:$0x3FDB];
	s0 =	simm.s32 @p2 $0x1  }
0x17: {  	s4 =	simm.s32 $0x1BF5;
	[smem:$0x3FBB] =	sst s0  }
0x18: {  	s0 =	sld [smem:$0x3F9E];
	_ =	swait.ge [sflag:s4], $0x0  }
0x19: {  	s7 =	sld [smem:$0x3F9F]  }
0x1a: {  	s8 =	sadd.s32 $0xFFFFE003, lr  }
0x1b: {  	s9 =	sadd.s32 $0xFFFFFEF7, lr;
	s5 =	simm.s32 $0xFFFFFFFF;
	p2 =	slt.u32 s8, $0xFFFFF086  }
0x1c: {  	p1 =	slt.u32 s9, $0xF7A;
	s5 =	simm.s32 @!p2 $0x0  }
0x1d: {  	s5 =	simm.s32 @p1 $0x1;
	p0 =	seq.s32 s7, s2  }
0x1e: {  	s7 =	smul.u32 @!p0 $0xF7A, s2;
	p2 =	seq.s32 @!p0 s5, $0x0  }
0x1f: {  	s9 =	smul.u32 $0xF7A, s1;
	s8 =	simm.s32 @!p0 $0x1BF5;
	p2 =	por !p2, p0  }
0x20: {  	[sflag:s8] =	ssyncset.s32 @!p0 $0xFFFFF086;
	s6 =	sadd.s32 @!p0 s3, s7;
	s7 =	simm.s32 @!p0 $0x108  }
0x21: {  	s3 =	sadd.s32 s3, s9;
	s6 =	sadd.s32 @!p0 $0x88, s6;
	s7 =	simm.s32 @p2 $0x1082  }
0x22: {  	[simem:s7], [sflag:s8] =	dma.local @!p0 [hbm:s6], $0xF7A  }
0x23: {  	s9 =	sor.u32 $0xD0000000, s2;
	s6 =	simm.s32 $0x108;
	_ =	swait.ge @!p0 [sflag:s8], $0x0  }
0x24: {  	s3 =	sadd.s32 $0x88, s3;
	s6 =	simm.s32 @!p1 $0x1082;
	[sflag:s4] =	ssyncset.s32 $0xFFFFF086  }
0x25: {  	[simem:s6], [sflag:s4] =	dma.local [hbm:s3], $0xF7A  }
0x26: {  	[smem:$0x3F9F] =	sst s1;
	(tag) =	ssettag s2;
	_ =	strace s9  }
0x27: {  	s1 =	sld [smem:$0x3FAF]  }
0x28: {  	s2 =	sld [smem:$0x3FB0]  }
0x29: {  	s4 =	sld [smem:$0x3FB2]  }
0x2a: {  	p0 =	seq.s32 s5, $0x0;
	s5 =	sld [smem:$0x3FB3]  }
0x2b: {  	s6 =	sld [smem:$0x3FB4]  }
0x2c: {  	s7 =	sld [smem:$0x3FB5]  }
0x2d: {  	s3 =	simm.s32 $0x108;
	s8 =	sld [smem:$0x3FB6]  }
0x2e: {  	s3 =	simm.s32 @!p0 $0x1082;
	s9 =	sld [smem:$0x3FB7]  }
0x2f: {  	lr =	sadd.s32 s0, s3;
	s0 =	sld [smem:$0x3FAE]  }
0x30: {  	s3 =	sld [smem:$0x3FB1]  }
0x31: {  	[smem:$0x3FBA] =	sst s10  }
0x32: {  	s10 =	sld [smem:$0x3FB8];
	_ =	sdelay $0x3  }
0x33: {  	p0 =	seq.s32 s10, $0x1;
	s10 =	sld [smem:$0x3FBA];
	_ =	sdelay $0x3  }
0x34: {  	[smem:$0x3FBA] =	sst s10  }
0x35: {  	s10 =	sld [smem:$0x3FB9];
	_ =	sdelay $0x3  }
0x36: {  	p1 =	seq.s32 s10, $0x1;
	s10 =	sld [smem:$0x3FBA];
	_ =	sdelay $0x3  }
0x37: {  	[smem:$0x3FBA] =	sst s10  }
0x38: {  	s10 =	sld [smem:$0x3FBB]  }
0x39: {  	_ = 	snop;
	(pc) =	sbr.ind lr, $3  }
0x3a: {  	_ = 	snop  }
0x3b: {  	_ = 	snop  }
0x3c: {  	p2 =	seq.s32 s10, $0x1;
	s10 =	sld [smem:$0x3FBA]  }
0x3d: {  	_ =	shalt  }
0x3e: {  	_ =	shalt  }
0x3f: {  	_ =	shalt  }
0x40: {  	_ =	shalt  }
0x41: {  	_ =	shalt  }
0x42: {  	_ =	shalt  }
0x43: {  	_ =	shalt  }
0x44: {  	_ =	shalt  }
0x45: {  	_ =	shalt  }
0x46: {  	_ =	shalt  }
0x47: {  	_ =	shalt  }
0x48: {  	_ =	shalt  }
0x49: {  	_ =	shalt  }
0x4a: {  	_ =	shalt  }
0x4b: {  	_ =	shalt  }
0x4c: {  	_ =	shalt  }
0x4d: {  	_ =	shalt  }
0x4e: {  	_ =	shalt  }
0x4f: {  	_ =	shalt  }
0x50: {  	_ =	shalt  }
0x51: {  	_ =	shalt  }
0x52: {  	_ =	shalt  }
0x53: {  	_ =	shalt  }
0x54: {  	_ =	shalt  }
0x55: {  	_ =	shalt  }
0x56: {  	_ =	shalt  }
0x57: {  	_ =	shalt  }
0x58: {  	_ =	shalt  }
0x59: {  	_ =	shalt  }
0x5a: {  	_ =	shalt  }
0x5b: {  	_ =	shalt  }
0x5c: {  	_ =	shalt  }
0x5d: {  	_ =	shalt  }
0x5e: {  	_ =	shalt  }
0x5f: {  	_ =	shalt  }
0x60: {  	_ =	shalt  }
0x61: {  	_ =	shalt  }
0x62: {  	_ =	shalt  }
0x63: {  	_ =	shalt  }
0x64: {  	_ =	shalt  }
0x65: {  	_ =	shalt  }
0x66: {  	_ =	shalt  }
0x67: {  	_ =	shalt  }
0x68: {  	_ =	shalt  }
0x69: {  	_ =	shalt  }
0x6a: {  	_ =	shalt  }
0x6b: {  	_ =	shalt  }
0x6c: {  	_ =	shalt  }
0x6d: {  	_ =	shalt  }
0x6e: {  	_ =	shalt  }
0x6f: {  	_ =	shalt  }
0x70: {  	_ =	shalt  }
0x71: {  	_ =	shalt  }
0x72: {  	_ =	shalt  }
0x73: {  	_ =	shalt  }
0x74: {  	_ =	shalt  }
0x75: {  	_ =	shalt  }
0x76: {  	_ =	shalt  }
0x77: {  	_ =	shalt  }
0x78: {  	_ =	shalt  }
0x79: {  	_ =	shalt  }
0x7a: {  	_ =	shalt  }
0x7b: {  	_ =	shalt  }
0x7c: {  	_ =	shalt  }
0x7d: {  	_ =	shalt  }
0x7e: {  	_ =	shalt  }
0x7f: {  	_ =	shalt  }
0x80: {  	_ =	shalt  }
0x81: {  	_ =	shalt  }
0x82: {  	_ =	shalt  }
0x83: {  	_ =	shalt  }
0x84: {  	_ =	shalt  }
0x85: {  	_ =	shalt  }
0x86: {  	_ =	shalt  }
0x87: {  	_ =	shalt  }
.Lfunc_end0:
.L_simem_size_0:
called_computation_lowered:
.L_overlay_start_0:
0x88: {  	s0 =	sld [smem:$0x3FD9]  }
0x89: {  	s1 =	sld [smem:$0x3FFE];
	_ =	sdelay $0x3  }
0x8a: {  	s0 =	sadd.s32 s1, s0  }
0x8b: {  	[smem:$0x3FC6] =	sst s0  }
0x8c: {  	_ = 	snop  }
0x8d: {  	s0 =	sld [smem:$0x3FD0];
	_ =	sdelay $0x1  }
0x8e: {  	s14 =	sld [smem:$0x3FC9]  }
0x8f: {  	s3 =	simm.s32 $0xA;
	s4 =	simm.s32 $0x10;
	s2 =	sld [smem:$0x3FC8]  }
0x90: {  	[smem:s4], [sflag:s3] =	dma.local [hbm:s0], $0x1  }
0x91: {  	_ =	swait.eq [sflag:s3], $0x1  }
0x92: {  	[sflag:s3] =	ssyncset.done $0x0  }
0x93: {  	[sflag:s3] =	ssyncadd.s32 $0xFFFFFFFF  }
0x94: {  	s15 =	sld [smem:$0x11];
	(tm) =	ssettm $0x1  }
0x95: {  	s16 =	sld [smem:$0x3FFB];
	_ =	sdelay $0x3  }
0x96: {  	_ =	strace s16  }
0x97: {  	s3 =	sld [smem:$0x3FFC];
	_ =	sdelay $0x3  }
0x98: {  	_ =	strace s3  }
0x99: {  	s3 =	sld [smem:$0x3FFD];
	_ =	sdelay $0x3  }
0x9a: {  	_ =	strace s3  }
0x9b: {  	_ =	strace $0x8FFFFFFF  }
0x9c: {  	s17 =	sld [smem:$0x3FDB];
	_ =	sdelay $0x1  }
0x9d: {  	s18 =	simm.s32 $_scs_section_size  }
0x9e: {  	s5 =	simm.s32 $_size__tile_overlayer_lowered;
	s6 =	simm.s32 $_tile_overlayer_lowered  }
0x9f: {  	s21 =	simm.s32 $0x1BFF;
	s20 =	sshll.u32 s6, $0x1;
	s3 =	sadd.s32 s18, s17  }
0xa0: {  	s7 =	simm.s32 $0x0;
	s19 =	sshll.u32 s5, $0x1;
	s5 =	sadd.s32 s20, s3  }
0xa1: {  	[timem:s7], [sflag:s21] =	dma.local [hbm:s5], s19  }
0xa2: {  	_ =	swait.ge [sflag:s21], s19  }
0xa3: {  	s4 =	ssub.s32 $0x0, s19;
	[sflag:s21] =	ssyncset.done $0x0  }
0xa4: {  	[sflag:s21] =	ssyncadd.s32 s4;
	_ =	sdelay $0x1  }
0xa5: {  	s22 =	simm.s32 $0x1B8B  }
0xa6: {  	_ =	swait.ge [sflag:s22], $0x1  }
0xa7: {  	[sflag:s22] =	ssyncset.done $0x0  }
0xa8: {  	s23 =	simm.s32 $0x1B8E;
	[sflag:s22] =	ssyncadd.s32 $0xFFFFFFFF  }
0xa9: {  	s24 =	simm.s32 $execute0_lowered;
	[smem:$0x3FD2] =	sst s23  }
0xaa: {  	s4 =	sshll.u32 s24, $0x1;
	_ =	strace $0x80000046;
	[dreg:$0x1] =	wrdreg $0xFFFFFFFF  }
0xab: {  	s25 =	simm.s32 $_size_execute0_lowered;
	s3 =	sadd.s32 s3, s4;
	[dreg:$0x0] =	wrdreg $0x0  }
0xac: {  	s4 =	sshll.u32 s25, $0x1;
	[dreg:$0x2] =	wrdreg s3  }
0xad: {  	[dreg:$0x3] =	wrdreg s4  }
0xae: {  	[dreg:$0x4] =	wrdreg $0xC0  }
0xaf: {  	_ =	task [dreg:s7], $0x5FFFF  }
0xb0: {  	[dreg:$0x1] =	wrdreg $0xFFFFFFFF  }
0xb1: {  	[dreg:$0x0] =	wrdreg $0x60  }
0xb2: {  	[dreg:$0x2] =	wrdreg s2  }
0xb3: {  	[dreg:$0x3] =	wrdreg s14  }
0xb4: {  	[dreg:$0x4] =	wrdreg s15  }
0xb5: {  	[dreg:$0x5] =	wrdreg $0x9  }
0xb6: {  	_ =	task.clear_ibuf [dreg:s7], $0x6FFFF;
	_ =	strace $0x90000046  }
0xb7: {  	s26 =	simm.s32 $0x9;
	_ =	strace $0x80000048  }
0xb8: {  	_ =	swait.ge [sflag:s26], $0x1  }
0xb9: {  	[sflag:s26] =	ssyncadd.s32 $0xFFFFFFFF  }
0xba: {  	_ =	strace $0x90000048  }
0xbb: {  	_ =	sfence  }
0xbc: {  	s28 =	sld [smem:$0x0];
	_ =	sdelay $0x1  }
0xbd: {  	s29 =	srdreg.scid  }
0xbe: {  	s30 =	sshll.u32 s29, $0xD;
	s31 =	sshrl.u32 s29, $0x2  }
0xbf: {  	s1 =	sand.u32 $0x1, s29;
	s2 =	sand.u32 $0x4000, s30;
	s0 =	sadd.s32 s31, s28  }
0xc0: {  	s1 =	sor.u32 s2, s1;
	s0 =	sshll.u32 s0, $0x11  }
0xc1: {  	s0 =	sor.u32 s0, s1  }
0xc2: {  	s0 =	sadd.s32 $0x8F2B, s0  }
0xc3: {  	[sflag:s0] =	ssyncadd.remote.s32 $0x1  }
0xc4: {  	_ =	sfence.sel $0xFFFF  }
0xc5: {  	[dreg:$0x0] =	wrdreg $0xFFFFFFFF;
	(pc) =	sbr.abs _section_cstart, $3  }
0xc6: {  	[dreg:$0x1] =	wrdreg $0xFFFFFFFF  }
0xc7: {  	_ =	task.clear_ibuf [dreg:s7], $0x2FFFF;
	_ =	strace $0x9FFFFFFF  }
0xc8: {  	(tm) =	ssettm $0x7FFFFFFF  }
0xc9: {  	_ =	shalt  }
tec
execute0_lowered:
.L_overlay_start_1:
0x0: {  	(tag) =	ssettag $0x1  }
0x1: {  	s1 =	stileid.u32  }
0x2: {  	p0 =	sgt.u32 s1, $0x7  }
.Ltmp0:
0x3: {  	s4 =	rddreg [dreg:$0x0];
	(pc) =	sbr.rel @p0 .LBB2_2-.Ltmp0, $4  }
0x4: {  	s7 =	rddreg [dreg:$0x1]  }
0x5: {  	s3 =	rddreg [dreg:$0x2];
	s2 =	simm.s32 $0x0  }
0x6: {  	[smem:$0x7FF] =	sst s2  }
0x7: {  	s0 =	rddreg [dreg:$0x3];
	_ =	strace $0x80000047  }
0x8: {  	s5 =	sshll.u32 s1, $0x1  }
0x9: {  	s4 =	sadd.s32 s4, s5  }
0xa: {  	[tilespmem:s2], [sflag:$0x2] =	stream.linear.gather [hbm4b:s4+s2], $0x10, $0x38;
	[tilespmem:$0x4100] =	vst v63  }
0xb: {  	s4 =	simm.s32 $0x2  }
0xc: {  	_ =	swait.ge [sflag:s4], $0x10  }
0xd: {  	[sflag:s4] =	ssyncset.done $0x0  }
0xe: {  	[sflag:s4] =	ssyncadd.s32 $0xFFFFFFF0  }
0xf: {  	v0 =	vld [tilespmem:$0x0];
	_ =	sdelay $0x4  }
0x10: {  	v1 =	vshll.u32 v0, $0x4  }
0x11: {  	(v2sf) =	vpush v1, $0x0;
	_ =	sdelay $0x1  }
0x12: {  	(v2sf) =	vpush v1, $0x1;
	_ =	sdelay $0x1  }
0x13: {  	(v2sf) =	vpush v1, $0x2;
	_ =	sdelay $0x2  }
0x14: {  	(v2sf) =	vpush v1, $0x3;
	_ =	sdelay $0x7  }
0x15: {  	s6 =	spop (v2sf);
	(v2sf) =	vpush v1, $0x4;
	_ =	sdelay $0x1  }
0x16: {  	s20 =	spop (v2sf);
	(v2sf) =	vpush v1, $0x5;
	_ =	sdelay $0x1  }
0x17: {  	s21 =	spop (v2sf);
	(v2sf) =	vpush v1, $0x6;
	_ =	sdelay $0x1  }
0x18: {  	s6 =	sand.u32 $0xFFFFF80, s6  }
0x19: {  	s8 =	sadd.s32 s7, s6;
	s6 =	simm.s32 $0x80;
	s23 =	spop (v2sf);
	(v2sf) =	vpush v1, $0x7  }
0x1a: {  	[tilespmem:s6], [sflag:$0x1] =	stream.linear.gather [hbm4b:s8+s2], $0x400, $0x38;
	[tilespmem:$0x4100] =	vst v63  }
0x1b: {  	s8 =	sand.u32 $0xFFFFF80, s20  }
0x1c: {  	s9 =	simm.s32 $0x480;
	s8 =	sadd.s32 s7, s8  }
0x1d: {  	[tilespmem:s9], [sflag:$0x1] =	stream.linear.gather [hbm4b:s8+s2], $0x400, $0x38;
	[tilespmem:$0x4100] =	vst v63  }
0x1e: {  	s8 =	sand.u32 $0xFFFFF80, s21  }
0x1f: {  	s22 =	simm.s32 $0x880;
	s8 =	sadd.s32 s7, s8  }
0x20: {  	[tilespmem:s22], [sflag:$0x1] =	stream.linear.gather [hbm4b:s8+s2], $0x400, $0x38;
	[tilespmem:$0x4100] =	vst v63  }
0x21: {  	s25 =	spop (v2sf);
	(v2sf) =	vpush v1, $0x8  }
0x22: {  	s8 =	sand.u32 $0xFFFFF80, s23  }
0x23: {  	s24 =	simm.s32 $0xC80;
	s8 =	sadd.s32 s7, s8;
	s28 =	spop (v2sf);
	(v2sf) =	vpush v1, $0x9  }
0x24: {  	[tilespmem:s24], [sflag:$0x1] =	stream.linear.gather [hbm4b:s8+s2], $0x400, $0x38;
	[tilespmem:$0x4100] =	vst v63  }
0x25: {  	s8 =	sand.u32 $0xFFFFF80, s25;
	s30 =	spop (v2sf);
	(v2sf) =	vpush v1, $0xA  }
0x26: {  	s26 =	simm.s32 $0x1080;
	s8 =	sadd.s32 s7, s8  }
0x27: {  	[tilespmem:s26], [sflag:$0x1] =	stream.linear.gather [hbm4b:s8+s2], $0x400, $0x38;
	[tilespmem:$0x4100] =	vst v63  }
0x28: {  	s9 =	spop (v2sf);
	(v2sf) =	vpush v1, $0xB  }
0x29: {  	s8 =	sand.u32 $0xFFFFF80, s28  }
0x2a: {  	s29 =	simm.s32 $0x1480;
	s8 =	sadd.s32 s7, s8  }
0x2b: {  	[tilespmem:s29], [sflag:$0x1] =	stream.linear.gather [hbm4b:s8+s2], $0x400, $0x38;
	[tilespmem:$0x4100] =	vst v63  }
0x2c: {  	s8 =	sand.u32 $0xFFFFF80, s30  }
0x2d: {  	s31 =	simm.s32 $0x1880;
	s8 =	sadd.s32 s7, s8  }
0x2e: {  	[tilespmem:s31], [sflag:$0x1] =	stream.linear.gather [hbm4b:s8+s2], $0x400, $0x38;
	[tilespmem:$0x4100] =	vst v63  }
0x2f: {  	s8 =	sand.u32 $0xFFFFF80, s9  }
0x30: {  	s10 =	simm.s32 $0x1C80;
	s8 =	sadd.s32 s7, s8;
	s11 =	spop (v2sf);
	(v2sf) =	vpush v1, $0xC  }
0x31: {  	[tilespmem:s10], [sflag:$0x1] =	stream.linear.gather [hbm4b:s8+s2], $0x400, $0x38;
	[tilespmem:$0x4100] =	vst v63  }
0x32: {  	s13 =	spop (v2sf);
	(v2sf) =	vpush v1, $0xD  }
0x33: {  	s8 =	sand.u32 $0xFFFFF80, s11  }
0x34: {  	s12 =	simm.s32 $0x2080;
	s8 =	sadd.s32 s7, s8;
	s15 =	spop (v2sf)  }
0x35: {  	(v2sf) =	vpush v1, $0xE;
	[tilespmem:s12], [sflag:$0x1] =	stream.linear.gather [hbm4b:s8+s2], $0x400, $0x38;
	[tilespmem:$0x4100] =	vst v63  }
0x36: {  	s8 =	sand.u32 $0xFFFFF80, s13  }
0x37: {  	s14 =	simm.s32 $0x2480;
	s17 =	spop (v2sf);
	s8 =	sadd.s32 s7, s8  }
0x38: {  	(v2sf) =	vpush v1, $0xF;
	[tilespmem:s14], [sflag:$0x1] =	stream.linear.gather [hbm4b:s8+s2], $0x400, $0x38;
	[tilespmem:$0x4100] =	vst v63  }
0x39: {  	s8 =	sand.u32 $0xFFFFF80, s15  }
0x3a: {  	s16 =	simm.s32 $0x2880;
	s8 =	sadd.s32 s7, s8  }
0x3b: {  	[tilespmem:s16], [sflag:$0x1] =	stream.linear.gather [hbm4b:s8+s2], $0x400, $0x38;
	[tilespmem:$0x4100] =	vst v63  }
0x3c: {  	s8 =	sand.u32 $0xFFFFF80, s17  }
0x3d: {  	s18 =	simm.s32 $0x2C80;
	s8 =	sadd.s32 s7, s8  }
0x3e: {  	[tilespmem:s18], [sflag:$0x1] =	stream.linear.gather [hbm4b:s8+s2], $0x400, $0x38;
	[tilespmem:$0x4100] =	vst v63  }
0x3f: {  	s19 =	spop (v2sf)  }
0x40: {  	s8 =	sand.u32 $0xFFFFF80, s19  }
0x41: {  	s20 =	simm.s32 $0x3080;
	s21 =	spop (v2sf);
	s8 =	sadd.s32 s7, s8  }
0x42: {  	[tilespmem:s20], [sflag:$0x1] =	stream.linear.gather [hbm4b:s8+s2], $0x400, $0x38;
	[tilespmem:$0x4100] =	vst v63  }
0x43: {  	s8 =	sand.u32 $0xFFFFF80, s21  }
0x44: {  	s22 =	simm.s32 $0x3480;
	s23 =	spop (v2sf);
	s8 =	sadd.s32 s7, s8  }
0x45: {  	[tilespmem:s22], [sflag:$0x1] =	stream.linear.gather [hbm4b:s8+s2], $0x400, $0x38;
	[tilespmem:$0x4100] =	vst v63  }
0x46: {  	s8 =	sand.u32 $0xFFFFF80, s23  }
0x47: {  	s24 =	simm.s32 $0x3880;
	s25 =	spop (v2sf);
	s8 =	sadd.s32 s7, s8  }
0x48: {  	[tilespmem:s24], [sflag:$0x1] =	stream.linear.gather [hbm4b:s8+s2], $0x400, $0x38;
	[tilespmem:$0x4100] =	vst v63  }
0x49: {  	s8 =	sand.u32 $0xFFFFF80, s25  }
0x4a: {  	s28 =	simm.s32 $0x3C80;
	s29 =	simm.s32 $0x1;
	s26 =	sadd.s32 s7, s8  }
0x4b: {  	[tilespmem:s28], [sflag:$0x1] =	stream.linear.gather [hbm4b:s26+s2], $0x400, $0x38;
	[tilespmem:$0x4100] =	vst v63  }
0x4c: {  	_ =	swait.ge [sflag:s29], $0x400  }
0x4d: {  	[sflag:s29] =	ssyncset.done $0x0  }
0x4e: {  	[sflag:s29] =	ssyncadd.s32 $0xFFFFFC00  }
0x4f: {  	_ =	swait.ge [sflag:s29], $0x400  }
0x50: {  	[sflag:s29] =	ssyncset.done $0x0  }
0x51: {  	[sflag:s29] =	ssyncadd.s32 $0xFFFFFC00  }
0x52: {  	_ =	swait.ge [sflag:s29], $0x400  }
0x53: {  	[sflag:s29] =	ssyncset.done $0x0  }
0x54: {  	[sflag:s29] =	ssyncadd.s32 $0xFFFFFC00  }
0x55: {  	_ =	swait.ge [sflag:s29], $0x400  }
0x56: {  	[sflag:s29] =	ssyncset.done $0x0  }
0x57: {  	[sflag:s29] =	ssyncadd.s32 $0xFFFFFC00  }
0x58: {  	_ =	swait.ge [sflag:s29], $0x400  }
0x59: {  	[sflag:s29] =	ssyncset.done $0x0  }
0x5a: {  	[sflag:s29] =	ssyncadd.s32 $0xFFFFFC00  }
0x5b: {  	_ =	swait.ge [sflag:s29], $0x400  }
0x5c: {  	[sflag:s29] =	ssyncset.done $0x0  }
0x5d: {  	[sflag:s29] =	ssyncadd.s32 $0xFFFFFC00  }
0x5e: {  	_ =	swait.ge [sflag:s29], $0x400  }
0x5f: {  	[sflag:s29] =	ssyncset.done $0x0  }
0x60: {  	[sflag:s29] =	ssyncadd.s32 $0xFFFFFC00  }
0x61: {  	_ =	swait.ge [sflag:s29], $0x400  }
0x62: {  	[sflag:s29] =	ssyncset.done $0x0  }
0x63: {  	[sflag:s29] =	ssyncadd.s32 $0xFFFFFC00  }
0x64: {  	_ =	swait.ge [sflag:s29], $0x400  }
0x65: {  	[sflag:s29] =	ssyncset.done $0x0  }
0x66: {  	[sflag:s29] =	ssyncadd.s32 $0xFFFFFC00  }
0x67: {  	_ =	swait.ge [sflag:s29], $0x400  }
0x68: {  	[sflag:s29] =	ssyncset.done $0x0  }
0x69: {  	[sflag:s29] =	ssyncadd.s32 $0xFFFFFC00  }
0x6a: {  	_ =	swait.ge [sflag:s29], $0x400  }
0x6b: {  	[sflag:s29] =	ssyncset.done $0x0  }
0x6c: {  	[sflag:s29] =	ssyncadd.s32 $0xFFFFFC00  }
0x6d: {  	_ =	swait.ge [sflag:s29], $0x400  }
0x6e: {  	[sflag:s29] =	ssyncset.done $0x0  }
0x6f: {  	[sflag:s29] =	ssyncadd.s32 $0xFFFFFC00  }
0x70: {  	_ =	swait.ge [sflag:s29], $0x400  }
0x71: {  	[sflag:s29] =	ssyncset.done $0x0  }
0x72: {  	[sflag:s29] =	ssyncadd.s32 $0xFFFFFC00  }
0x73: {  	_ =	swait.ge [sflag:s29], $0x400  }
0x74: {  	v63 =	vlaneseq.u32;
	v0 =	vshll.u32 v0, $0x7;
	[sflag:s29] =	ssyncset.done $0x0  }
0x75: {  	v0 =	vand.u32 $0x380, v0;
	s30 =	sshll.u32 s1, $0x4;
	v1 =	vmul.u32 $0x401, v63;
	[sflag:s29] =	ssyncadd.s32 $0xFFFFFC00  }
0x76: {  	v0 =	vor.u32 s30, v0;
	_ =	swait.ge [sflag:s29], $0x400  }
0x77: {  	v0 =	vor.u32 v1, v0;
	[sflag:s29] =	ssyncset.done $0x0  }
0x78: {  	[sflag:s29] =	ssyncadd.s32 $0xFFFFFC00  }
0x79: {  	_ =	swait.ge [sflag:s29], $0x400  }
0x7a: {  	[sflag:s29] =	ssyncset.done $0x0  }
0x7b: {  	[sflag:s29] =	ssyncadd.s32 $0xFFFFFC00  }
0x7c: {  	v0 =	vld.idx.msk [tilespmem:v0+s6+$0x0], $0xffff;
	_ =	sdelay $0x4  }
0x7d: {  	s3 =	sadd.s32 s3, s5;
	s31 =	simm.s32 $0x4080;
	[tilespmem:$0x4080] =	vst v0  }
0x7e: {  	[hbm4b:s3+s2] =	stream.linear.scatter [tilespmem:s31], [sflag:$0x2], $0x10, $0x38;
	[tilespmem:$0x4100] =	vst v63  }
0x7f: {  	_ =	swait.ge [sflag:s4], $0x10  }
0x80: {  	[sflag:s4] =	ssyncset.done $0x0  }
0x81: {  	[sflag:s4] =	ssyncadd.s32 $0xFFFFFFF0  }
.LBB2_2:
0x82: {  	_ =	sfence.sel $0x180000  }
0x83: {  	[bflag:$0x0] =	sbarrier.arrive $0xFFFF  }
0x84: {  	p0 =	sne.s32 s1, $0x0;
	_ =	strace $0x90000047  }
0x85: {  	s0 =	sadd.s32 @!p0 $0x100000, s0;
	[bflag:$0x2] =	sbarrier.arrive $0xFFFF  }
0x86: {  	[sflag:s0] =	ssyncadd.tile.s32 @!p0 $0x1;
	_ =	shalt  }
.Lfunc_end2:
_tile_overlayer_lowered:
.L_overlay_start_2:
0x87: {  	(tag) =	ssettag $0x2  }
0x88: {  	s0 =	rddreg [dreg:$0x0];
	s2 =	stileid.u32  }
0x89: {  	s1 =	rddreg [dreg:$0x1];
	p0 =	sne.s32 s2, $0x0  }
0x8a: {  	s3 =	rddreg [dreg:$0x2];
	[bflag:$0x3] =	sbarrier.arrive $0xFFFF;
	s2 =	simm.s32 @!p0 $0x1C02  }
0x8b: {  	[timem:s3], [sflag:s2] =	dma.local @!p0 [hbm:s0], s1  }
0x8c: {  	s0 =	simm.s32 @!p0 $0x2  }
0x8d: {  	_ =	swait.ge @!p0 [sflag:s0], s1  }
0x8e: {  	s1 =	ssub.s32 @!p0 $0x0, s1;
	[sflag:s0] =	ssyncset.done @!p0 $0x0  }
0x8f: {  	[sflag:s0] =	ssyncadd.s32 @!p0 s1  }
0x90: {  	[bflag:$0x3] =	sbarrier.arrive $0xFFFF  }
0x91: {  	_ =	shalt  }

</sc_bundles>
